<compile_context>
chip_gen: v7x
topology: tpu7x:2x2x1
jax: 0.10.2.dev20260603
libtpu: 0.0.44.dev20260713+nightly
codegen_flags: <defaults>
</compile_context>

<pallas_src>
import functools

import jax
import jax.numpy as jnp
from jax import lax
from jax.experimental import pallas as pl
from jax.experimental.pallas import tpu as pltpu
from jax.experimental.pallas import tpu_sc as plsc

B, N, D = 4, 8192, 1024
BN = B * N

NC, NS = 2, 16
NW = NC * NS
ROWS_PER_W = BN // NW
CHUNK = 16
NCHUNK = ROWS_PER_W // CHUNK



_KA_ROWS = 1024


def _keys_body(x_ref, k_ref):
    xb = x_ref[0]
    acc = xb[:, 0:128]
    for j in range(1, 8):
        acc = acc + xb[:, 128 * j:128 * (j + 1)]
    accT = jnp.transpose(acc)
    b = accT[0:8]
    for m in range(1, 16):
        b = b + accT[8 * m:8 * (m + 1)]
    b = b[0:4] + b[4:8]
    b = b[0:2] + b[2:4]
    tot = b[0:1] + b[1:2]
    x0 = jnp.transpose(xb[:, 0:128])[0:1]
    k_ref[0, 0, :] = (x0 + tot)[0]


def _compute_keys(x):
    nblk = N // _KA_ROWS
    return pl.pallas_call(
        _keys_body,
        grid=(B, nblk),
        in_specs=[pl.BlockSpec((1, _KA_ROWS, D), lambda b, i: (b, i, 0))],
        out_specs=pl.BlockSpec((1, 1, _KA_ROWS), lambda b, i: (b * nblk + i, 0, 0)),
        out_shape=jax.ShapeDtypeStruct((B * nblk, 1, _KA_ROWS), jnp.float32),
    )(x)



_RB = 1024


_NB = N // _RB
_NT = _NB * (_NB + 1) // 2
_TRI_START = [i * _NB - i * (i - 1) // 2 for i in range(_NB)]


def _tri_ij(t):
    i = jnp.int32(0)
    for k in range(1, _NB):
        i = i + (t >= _TRI_START[k]).astype(jnp.int32)
    start = jnp.int32(0)
    for k in range(1, _NB):
        start = jnp.where(i == k, jnp.int32(_TRI_START[k]), start)
    j = t - start + i
    return i, j


def _rank_body(ki_ref, kj_ref, out_ref, acc_ref):
    bidx = pl.program_id(0)
    t = pl.program_id(1)
    i, j = _tri_ij(t)
    ki = ki_ref[0]
    kj = jnp.transpose(kj_ref[0])

    @pl.when(t == 0)
    def _():
        acc_ref[...] = jnp.zeros((_NB, _RB), jnp.float32)

    @pl.when(i < j)
    def _():
        c = (kj < ki).astype(jnp.float32)
        s1 = jnp.sum(c, axis=0, keepdims=True)
        acc_ref[pl.ds(i, 1), :] += s1
        cf = c[:, 0:128]
        for a in range(1, 8):
            cf = cf + c[:, 128 * a:128 * (a + 1)]
        ct = jnp.transpose(cf)
        s2 = _RB - jnp.sum(ct, axis=0, keepdims=True)
        acc_ref[pl.ds(j, 1), :] += s2

    @pl.when(i == j)
    def _():
        lt = (kj < ki).astype(jnp.float32)
        eq = kj == ki
        qp = lax.broadcasted_iota(jnp.int32, (_RB, _RB), 1)
        qq = lax.broadcasted_iota(jnp.int32, (_RB, _RB), 0)
        tie = jnp.where(eq & (qq < qp), 1.0, 0.0)
        acc_ref[pl.ds(i, 1), :] += jnp.sum(lt + tie, axis=0, keepdims=True)

    @pl.when(t == _NT - 1)
    def _():
        out_ref[0] = acc_ref[...].astype(jnp.int32) + bidx * N


def _compute_ranks(keys_row):
    def ki_map(b, t):
        i, _ = _tri_ij(t)
        return b * _NB + i, 0, 0

    def kj_map(b, t):
        _, j = _tri_ij(t)
        return b * _NB + j, 0, 0

    out = pl.pallas_call(
        _rank_body,
        grid=(B, _NT),
        in_specs=[
            pl.BlockSpec((1, 1, _RB), ki_map),
            pl.BlockSpec((1, 1, _RB), kj_map),
        ],
        out_specs=pl.BlockSpec((1, _NB, _RB), lambda b, t: (b, 0, 0)),
        out_shape=jax.ShapeDtypeStruct((B, _NB, _RB), jnp.int32),
        scratch_shapes=[pltpu.VMEM((_NB, _RB), jnp.float32)],
    )(keys_row, keys_row)
    return out.reshape(B, N)



@functools.cache
def _build_sc_scatter():
    mesh = plsc.VectorSubcoreMesh(core_axis_name="c", subcore_axis_name="s")

    nslot = 4

    @functools.partial(
        pl.kernel,
        mesh=mesh,
        out_type=jax.ShapeDtypeStruct((BN, D), jnp.float32),
        scratch_types=[
            pltpu.VMEM((nslot, CHUNK, D), jnp.float32),
            pltpu.VMEM((NCHUNK, CHUNK), jnp.int32),
            pltpu.SemaphoreType.DMA,
            pltpu.SemaphoreType.DMA,
            pltpu.SemaphoreType.DMA,
            pltpu.SemaphoreType.DMA,
            pltpu.SemaphoreType.DMA,
            pltpu.SemaphoreType.DMA,
            pltpu.SemaphoreType.DMA,
            pltpu.SemaphoreType.DMA,
        ],
    )
    def _sc_scatter(x_hbm, gidx_hbm, out_hbm, rows_v, idx_v,
                    si0, si1, si2, si3, so0, so1, so2, so3):
        wid = lax.axis_index("s") * NC + lax.axis_index("c")
        base = wid * ROWS_PER_W
        sin = (si0, si1, si2, si3)
        sout = (so0, so1, so2, so3)

        def in_copy(g, s):
            return pltpu.make_async_copy(
                x_hbm.at[pl.ds(base + g * CHUNK, CHUNK)], rows_v.at[s], sin[s])

        def scat_copy(g, s):
            return pltpu.make_async_copy(
                rows_v.at[s], out_hbm.at[idx_v.at[g]], sout[s])

        pltpu.sync_copy(gidx_hbm.at[wid], idx_v)
        in_copy(0, 0).start()
        in_copy(1, 1).start()

        def body(t, carry):
            for s in range(nslot):
                g = nslot * t + s
                in_copy(g, s).wait()
                scat_copy(g, s).start()

                @pl.when(g >= 2)
                def _():
                    scat_copy(g - 2, (s + 2) % nslot).wait()

                @pl.when(g + 2 < NCHUNK)
                def _():
                    in_copy(g + 2, (s + 2) % nslot).start()

            return carry

        lax.fori_loop(0, NCHUNK // nslot, body, 0)
        scat_copy(NCHUNK - 2, (NCHUNK - 2) % nslot).wait()
        scat_copy(NCHUNK - 1, (NCHUNK - 1) % nslot).wait()

    return _sc_scatter


def kernel(x):
    keys = _compute_keys(x)
    gidx = _compute_ranks(keys)
    out2d = _build_sc_scatter()(x.reshape(BN, D), gidx.reshape(NW, NCHUNK, CHUNK))
    return out2d.reshape(B, N, D)

# --- scband reference (transcript-rebuilt; emitter-appended) ---
"""Pipeline reference for scband-canonical-model-84868553769066 (READ-ONLY COPY).

The authoritative reference and input builder live on the scoring server;
editing this copy changes nothing except your own understanding.
"""

import jax, jax.numpy as jnp
import numpy as np


def setup_inputs(seed: int = 0) -> dict:
    key = jax.random.key(seed)
    x = jax.random.normal(key, (4, 8192, 1024), dtype=jnp.float32)
    return {"x": x}


def reference(x):
    # canonize: sort rows (sequence positions) by (x[...,0] + row sum)
    sort_key = x[..., 0] + jnp.sum(x, axis=-1)          # (B, N)
    row_idx = jnp.argsort(sort_key, axis=-1)             # (B, N)
    gathered = jnp.take_along_axis(x, row_idx[..., None], axis=1)  # (B, N, D)
    # inner model is nn.Identity(), so forward output == canonized x
    return gathered

if __name__ == "__main__":
    import jax
    _d = setup_inputs()
    print(jax.jit(kernel)(*tuple(_d.values())))

</pallas_src>

<mosaic_0001>
#map = affine_map<(d0, d1) -> (0, 0)>
#map1 = affine_map<(d0, d1) -> (0, 0, 0)>
module attributes {stable_mosaic.version = 14 : i64} {
  func.func @_sc_scatter(%arg0: i32, %arg1: i32, %arg2: memref<32768x1024xf32, #tpu.memory_space<hbm>>, %arg3: memref<32x64x16xi32, #tpu.memory_space<hbm>>, %arg4: memref<32768x1024xf32, #tpu.memory_space<hbm>>, %arg5: memref<4x16x1024xf32, #tpu.memory_space<vmem>>, %arg6: memref<64x16xi32, #tpu.memory_space<vmem>>, %arg7: memref<!tpu.dma_semaphore, #tpu.memory_space<semaphore_mem>>, %arg8: memref<!tpu.dma_semaphore, #tpu.memory_space<semaphore_mem>>, %arg9: memref<!tpu.dma_semaphore, #tpu.memory_space<semaphore_mem>>, %arg10: memref<!tpu.dma_semaphore, #tpu.memory_space<semaphore_mem>>, %arg11: memref<!tpu.dma_semaphore, #tpu.memory_space<semaphore_mem>>, %arg12: memref<!tpu.dma_semaphore, #tpu.memory_space<semaphore_mem>>, %arg13: memref<!tpu.dma_semaphore, #tpu.memory_space<semaphore_mem>>, %arg14: memref<!tpu.dma_semaphore, #tpu.memory_space<semaphore_mem>>) attributes {dimension_semantics = [#tpu.dimension_semantics<core_parallel>, #tpu.dimension_semantics<subcore_parallel>], iteration_bounds = array<i64: 2, 16>, scalar_prefetch = 0 : i64, scratch_operands = 10 : i64, tpu.core_type = #tpu.core_type<sc_vector_subcore>, window_params = [{transform_indices = #map}, {transform_indices = #map1}, {transform_indices = #map}]} {
    %mul3A = arith.constant 2 : i32
    %mul3A_0 = arith.muli %arg1, %mul3A : i32
    %add3A = arith.addi %mul3A_0, %arg0 : i32
    %mul3A_1 = arith.constant 1024 : i32
    %mul3A_2 = arith.muli %add3A, %mul3A_1 : i32
    "tpu.region"() ({
      %run_scoped3A = tpu.sem_alloc : memref<!tpu.dma_semaphore, #tpu.memory_space<semaphore_mem>>
      %dma_start3A_60 = arith.constant 0 : i32
      %dma_start3A_61 = arith.constant 0 : i32
      %dma_start3A_62 = tpu.memref_slice %arg3[%add3A, %dma_start3A_60, %dma_start3A_61] : memref<32x64x16xi32, #tpu.memory_space<hbm>> -> memref<1x64x16xi32, #tpu.memory_space<hbm>>
      %dma_start3A_63 = tpu.memref_squeeze %dma_start3A_62 : memref<1x64x16xi32, #tpu.memory_space<hbm>> -> memref<64x16xi32, #tpu.memory_space<hbm>>
      %dma_start3A_64 = arith.constant 0 : i32
      %dma_start3A_65 = arith.constant 0 : i32
      %dma_start3A_66 = tpu.memref_slice %arg3[%add3A, %dma_start3A_64, %dma_start3A_65] : memref<32x64x16xi32, #tpu.memory_space<hbm>> -> memref<1x64x16xi32, #tpu.memory_space<hbm>>
      %dma_start3A_67 = tpu.memref_squeeze %dma_start3A_66 : memref<1x64x16xi32, #tpu.memory_space<hbm>> -> memref<64x16xi32, #tpu.memory_space<hbm>>
      tpu.enqueue_dma source(%dma_start3A_67 : memref<64x16xi32, #tpu.memory_space<hbm>>) target(%arg6 : memref<64x16xi32, #tpu.memory_space<vmem>>) target_semaphore(%run_scoped3A : memref<!tpu.dma_semaphore, #tpu.memory_space<semaphore_mem>>)
      %dma_wait3A_68 = arith.constant 0 : i32
      %dma_wait3A_69 = arith.constant 0 : i32
      %dma_wait3A_70 = tpu.memref_slice %arg3[%add3A, %dma_wait3A_68, %dma_wait3A_69] : memref<32x64x16xi32, #tpu.memory_space<hbm>> -> memref<1x64x16xi32, #tpu.memory_space<hbm>>
      %dma_wait3A_71 = tpu.memref_squeeze %dma_wait3A_70 : memref<1x64x16xi32, #tpu.memory_space<hbm>> -> memref<64x16xi32, #tpu.memory_space<hbm>>
      %dma_wait3A_72 = arith.constant 0 : i32
      %dma_wait3A_73 = arith.constant 0 : i32
      %dma_wait3A_74 = tpu.memref_slice %arg3[%add3A, %dma_wait3A_72, %dma_wait3A_73] : memref<32x64x16xi32, #tpu.memory_space<hbm>> -> memref<1x64x16xi32, #tpu.memory_space<hbm>>
      %dma_wait3A_75 = tpu.memref_squeeze %dma_wait3A_74 : memref<1x64x16xi32, #tpu.memory_space<hbm>> -> memref<64x16xi32, #tpu.memory_space<hbm>>
      tpu.wait_dma2 semaphore(%run_scoped3A : memref<!tpu.dma_semaphore, #tpu.memory_space<semaphore_mem>>) src(%dma_wait3A_75 : memref<64x16xi32, #tpu.memory_space<hbm>>) dst(%arg6 : memref<64x16xi32, #tpu.memory_space<vmem>>)
      tpu.yield
    }) : () -> ()
    %add3A_3 = arith.constant 0 : i32
    %add3A_4 = arith.addi %mul3A_2, %add3A_3 : i32
    %dma_start3A = arith.constant 0 : i32
    %dma_start3A_5 = arith.constant 0 : i32
    %dma_start3A_6 = arith.constant 0 : i32
    %dma_start3A_7 = tpu.memref_slice %arg5[%dma_start3A, %dma_start3A_5, %dma_start3A_6] : memref<4x16x1024xf32, #tpu.memory_space<vmem>> -> memref<1x16x1024xf32, #tpu.memory_space<vmem>>
    %dma_start3A_8 = tpu.memref_squeeze %dma_start3A_7 : memref<1x16x1024xf32, #tpu.memory_space<vmem>> -> memref<16x1024xf32, #tpu.memory_space<vmem>>
    %dma_start3A_9 = arith.constant 0 : i32
    %dma_start3A_10 = tpu.memref_slice %arg2[%add3A_4, %dma_start3A_9] : memref<32768x1024xf32, #tpu.memory_space<hbm>> -> memref<16x1024xf32, #tpu.memory_space<hbm>>
    %dma_start3A_11 = arith.constant 0 : i32
    %dma_start3A_12 = arith.constant 0 : i32
    %dma_start3A_13 = tpu.memref_slice %arg5[%dma_start3A, %dma_start3A_11, %dma_start3A_12] : memref<4x16x1024xf32, #tpu.memory_space<vmem>> -> memref<1x16x1024xf32, #tpu.memory_space<vmem>>
    %dma_start3A_14 = tpu.memref_squeeze %dma_start3A_13 : memref<1x16x1024xf32, #tpu.memory_space<vmem>> -> memref<16x1024xf32, #tpu.memory_space<vmem>>
    %dma_start3A_15 = arith.constant 0 : i32
    %dma_start3A_16 = tpu.memref_slice %arg2[%add3A_4, %dma_start3A_15] : memref<32768x1024xf32, #tpu.memory_space<hbm>> -> memref<16x1024xf32, #tpu.memory_space<hbm>>
    tpu.enqueue_dma source(%dma_start3A_16 : memref<16x1024xf32, #tpu.memory_space<hbm>>) target(%dma_start3A_14 : memref<16x1024xf32, #tpu.memory_space<vmem>>) target_semaphore(%arg7 : memref<!tpu.dma_semaphore, #tpu.memory_space<semaphore_mem>>)
    %add3A_17 = arith.constant 16 : i32
    %add3A_18 = arith.addi %mul3A_2, %add3A_17 : i32
    %dma_start3A_19 = arith.constant 1 : i32
    %dma_start3A_20 = arith.constant 0 : i32
    %dma_start3A_21 = arith.constant 0 : i32
    %dma_start3A_22 = tpu.memref_slice %arg5[%dma_start3A_19, %dma_start3A_20, %dma_start3A_21] : memref<4x16x1024xf32, #tpu.memory_space<vmem>> -> memref<1x16x1024xf32, #tpu.memory_space<vmem>>
    %dma_start3A_23 = tpu.memref_squeeze %dma_start3A_22 : memref<1x16x1024xf32, #tpu.memory_space<vmem>> -> memref<16x1024xf32, #tpu.memory_space<vmem>>
    %dma_start3A_24 = arith.constant 0 : i32
    %dma_start3A_25 = tpu.memref_slice %arg2[%add3A_18, %dma_start3A_24] : memref<32768x1024xf32, #tpu.memory_space<hbm>> -> memref<16x1024xf32, #tpu.memory_space<hbm>>
    %dma_start3A_26 = arith.constant 0 : i32
    %dma_start3A_27 = arith.constant 0 : i32
    %dma_start3A_28 = tpu.memref_slice %arg5[%dma_start3A_19, %dma_start3A_26, %dma_start3A_27] : memref<4x16x1024xf32, #tpu.memory_space<vmem>> -> memref<1x16x1024xf32, #tpu.memory_space<vmem>>
    %dma_start3A_29 = tpu.memref_squeeze %dma_start3A_28 : memref<1x16x1024xf32, #tpu.memory_space<vmem>> -> memref<16x1024xf32, #tpu.memory_space<vmem>>
    %dma_start3A_30 = arith.constant 0 : i32
    %dma_start3A_31 = tpu.memref_slice %arg2[%add3A_18, %dma_start3A_30] : memref<32768x1024xf32, #tpu.memory_space<hbm>> -> memref<16x1024xf32, #tpu.memory_space<hbm>>
    tpu.enqueue_dma source(%dma_start3A_31 : memref<16x1024xf32, #tpu.memory_space<hbm>>) target(%dma_start3A_29 : memref<16x1024xf32, #tpu.memory_space<vmem>>) target_semaphore(%arg8 : memref<!tpu.dma_semaphore, #tpu.memory_space<semaphore_mem>>)
    %scan3A = arith.constant 0 : i32
    %scan3A_32 = arith.constant 0 : i32
    %scan3A_33 = arith.constant 16 : i32
    %scan3A_34 = arith.addi %scan3A_32, %scan3A_33 : i32
    %scan3A_35 = arith.constant 1 : i32
    scf.for %scan3A_60 = %scan3A_32 to %scan3A_34 step %scan3A_35  : i32 {
      %mul3A_61 = arith.constant 4 : i32
      %mul3A_62 = arith.muli %mul3A_61, %scan3A_60 : i32
      %add3A_63 = arith.constant 0 : i32
      %add3A_64 = arith.addi %mul3A_62, %add3A_63 : i32
      %mul3A_65 = arith.constant 16 : i32
      %mul3A_66 = arith.muli %add3A_64, %mul3A_65 : i32
      %add3A_67 = arith.addi %mul3A_2, %mul3A_66 : i32
      %dma_wait3A_68 = arith.constant 0 : i32
      %dma_wait3A_69 = arith.constant 0 : i32
      %dma_wait3A_70 = arith.constant 0 : i32
      %dma_wait3A_71 = tpu.memref_slice %arg5[%dma_wait3A_68, %dma_wait3A_69, %dma_wait3A_70] : memref<4x16x1024xf32, #tpu.memory_space<vmem>> -> memref<1x16x1024xf32, #tpu.memory_space<vmem>>
      %dma_wait3A_72 = tpu.memref_squeeze %dma_wait3A_71 : memref<1x16x1024xf32, #tpu.memory_space<vmem>> -> memref<16x1024xf32, #tpu.memory_space<vmem>>
      %dma_wait3A_73 = arith.constant 0 : i32
      %dma_wait3A_74 = tpu.memref_slice %arg2[%add3A_67, %dma_wait3A_73] : memref<32768x1024xf32, #tpu.memory_space<hbm>> -> memref<16x1024xf32, #tpu.memory_space<hbm>>
      %dma_wait3A_75 = arith.constant 0 : i32
      %dma_wait3A_76 = arith.constant 0 : i32
      %dma_wait3A_77 = tpu.memref_slice %arg5[%dma_wait3A_68, %dma_wait3A_75, %dma_wait3A_76] : memref<4x16x1024xf32, #tpu.memory_space<vmem>> -> memref<1x16x1024xf32, #tpu.memory_space<vmem>>
      %dma_wait3A_78 = tpu.memref_squeeze %dma_wait3A_77 : memref<1x16x1024xf32, #tpu.memory_space<vmem>> -> memref<16x1024xf32, #tpu.memory_space<vmem>>
      %dma_wait3A_79 = arith.constant 0 : i32
      %dma_wait3A_80 = tpu.memref_slice %arg2[%add3A_67, %dma_wait3A_79] : memref<32768x1024xf32, #tpu.memory_space<hbm>> -> memref<16x1024xf32, #tpu.memory_space<hbm>>
      tpu.wait_dma2 semaphore(%arg7 : memref<!tpu.dma_semaphore, #tpu.memory_space<semaphore_mem>>) src(%dma_wait3A_80 : memref<16x1024xf32, #tpu.memory_space<hbm>>) dst(%dma_wait3A_78 : memref<16x1024xf32, #tpu.memory_space<vmem>>)
      %dma_start3A_81 = arith.constant 0 : i32
      %dma_start3A_82 = arith.constant 0 : i32
      %dma_start3A_83 = arith.constant 0 : i32
      %dma_start3A_84 = tpu.memref_slice %arg5[%dma_start3A_81, %dma_start3A_82, %dma_start3A_83] : memref<4x16x1024xf32, #tpu.memory_space<vmem>> -> memref<1x16x1024xf32, #tpu.memory_space<vmem>>
      %dma_start3A_85 = tpu.memref_squeeze %dma_start3A_84 : memref<1x16x1024xf32, #tpu.memory_space<vmem>> -> memref<16x1024xf32, #tpu.memory_space<vmem>>
      %dma_start3A_86 = arith.constant 0 : i32
      %dma_start3A_87 = tpu.memref_slice %arg6[%add3A_64, %dma_start3A_86] : memref<64x16xi32, #tpu.memory_space<vmem>> -> memref<1x16xi32, #tpu.memory_space<vmem>>
      %dma_start3A_88 = tpu.memref_squeeze %dma_start3A_87 : memref<1x16xi32, #tpu.memory_space<vmem>> -> memref<16xi32, #tpu.memory_space<vmem>>
      %dma_start3A_89 = arith.constant 0 : i32
      %dma_start3A_90 = arith.constant 0 : i32
      %dma_start3A_91 = tpu.memref_slice %arg4[%dma_start3A_89, %dma_start3A_90] : memref<32768x1024xf32, #tpu.memory_space<hbm>> -> memref<32768x1024xf32, #tpu.memory_space<hbm>>
      tpu.enqueue_indirect_dma source(%dma_start3A_85 : memref<16x1024xf32, #tpu.memory_space<vmem>>) target(%dma_start3A_91 : memref<32768x1024xf32, #tpu.memory_space<hbm>>) offsets(%dma_start3A_88 : memref<16xi32, #tpu.memory_space<vmem>>) semaphore(%arg11 : memref<!tpu.dma_semaphore, #tpu.memory_space<semaphore_mem>>)
      %ge3A = arith.constant 2 : i32
      %ge3A_92 = arith.cmpi sge, %add3A_64, %ge3A : i32
      %convert_element_type3A = arith.extui %ge3A_92 : i1 to i32
      %cond3A = arith.constant 0 : i32
      %cond3A_93 = arith.cmpi ne, %convert_element_type3A, %cond3A : i32
      scf.if %cond3A_93 {
        %sub3A = arith.constant 2 : i32
        %sub3A_229 = arith.subi %add3A_64, %sub3A : i32
        %dma_wait3A_230 = arith.constant 2 : i32
        %dma_wait3A_231 = arith.constant 0 : i32
        %dma_wait3A_232 = arith.constant 0 : i32
        %dma_wait3A_233 = tpu.memref_slice %arg5[%dma_wait3A_230, %dma_wait3A_231, %dma_wait3A_232] : memref<4x16x1024xf32, #tpu.memory_space<vmem>> -> memref<1x16x1024xf32, #tpu.memory_space<vmem>>
        %dma_wait3A_234 = tpu.memref_squeeze %dma_wait3A_233 : memref<1x16x1024xf32, #tpu.memory_space<vmem>> -> memref<16x1024xf32, #tpu.memory_space<vmem>>
        %dma_wait3A_235 = arith.constant 0 : i32
        %dma_wait3A_236 = tpu.memref_slice %arg6[%sub3A_229, %dma_wait3A_235] : memref<64x16xi32, #tpu.memory_space<vmem>> -> memref<1x16xi32, #tpu.memory_space<vmem>>
        %dma_wait3A_237 = tpu.memref_squeeze %dma_wait3A_236 : memref<1x16xi32, #tpu.memory_space<vmem>> -> memref<16xi32, #tpu.memory_space<vmem>>
        %dma_wait3A_238 = arith.constant 0 : i32
        %dma_wait3A_239 = arith.constant 0 : i32
        %dma_wait3A_240 = tpu.memref_slice %arg4[%dma_wait3A_238, %dma_wait3A_239] : memref<32768x1024xf32, #tpu.memory_space<hbm>> -> memref<32768x1024xf32, #tpu.memory_space<hbm>>
        tpu.wait_indirect_dma semaphore(%arg13 : memref<!tpu.dma_semaphore, #tpu.memory_space<semaphore_mem>>) src(%dma_wait3A_234 : memref<16x1024xf32, #tpu.memory_space<vmem>>) dst(%dma_wait3A_240 : memref<32768x1024xf32, #tpu.memory_space<hbm>>)
      } else {
      }
      %add3A_94 = arith.constant 2 : i32
      %add3A_95 = arith.addi %add3A_64, %add3A_94 : i32
      %lt3A = arith.constant 64 : i32
      %lt3A_96 = arith.cmpi slt, %add3A_95, %lt3A : i32
      %convert_element_type3A_97 = arith.extui %lt3A_96 : i1 to i32
      %cond3A_98 = arith.constant 0 : i32
      %cond3A_99 = arith.cmpi ne, %convert_element_type3A_97, %cond3A_98 : i32
      scf.if %cond3A_99 {
        %add3A_229 = arith.constant 2 : i32
        %add3A_230 = arith.addi %add3A_64, %add3A_229 : i32
        %mul3A_231 = arith.constant 16 : i32
        %mul3A_232 = arith.muli %add3A_230, %mul3A_231 : i32
        %add3A_233 = arith.addi %mul3A_2, %mul3A_232 : i32
        %dma_start3A_234 = arith.constant 2 : i32
        %dma_start3A_235 = arith.constant 0 : i32
        %dma_start3A_236 = arith.constant 0 : i32
        %dma_start3A_237 = tpu.memref_slice %arg5[%dma_start3A_234, %dma_start3A_235, %dma_start3A_236] : memref<4x16x1024xf32, #tpu.memory_space<vmem>> -> memref<1x16x1024xf32, #tpu.memory_space<vmem>>
        %dma_start3A_238 = tpu.memref_squeeze %dma_start3A_237 : memref<1x16x1024xf32, #tpu.memory_space<vmem>> -> memref<16x1024xf32, #tpu.memory_space<vmem>>
        %dma_start3A_239 = arith.constant 0 : i32
        %dma_start3A_240 = tpu.memref_slice %arg2[%add3A_233, %dma_start3A_239] : memref<32768x1024xf32, #tpu.memory_space<hbm>> -> memref<16x1024xf32, #tpu.memory_space<hbm>>
        %dma_start3A_241 = arith.constant 0 : i32
        %dma_start3A_242 = arith.constant 0 : i32
        %dma_start3A_243 = tpu.memref_slice %arg5[%dma_start3A_234, %dma_start3A_241, %dma_start3A_242] : memref<4x16x1024xf32, #tpu.memory_space<vmem>> -> memref<1x16x1024xf32, #tpu.memory_space<vmem>>
        %dma_start3A_244 = tpu.memref_squeeze %dma_start3A_243 : memref<1x16x1024xf32, #tpu.memory_space<vmem>> -> memref<16x1024xf32, #tpu.memory_space<vmem>>
        %dma_start3A_245 = arith.constant 0 : i32
        %dma_start3A_246 = tpu.memref_slice %arg2[%add3A_233, %dma_start3A_245] : memref<32768x1024xf32, #tpu.memory_space<hbm>> -> memref<16x1024xf32, #tpu.memory_space<hbm>>
        tpu.enqueue_dma source(%dma_start3A_246 : memref<16x1024xf32, #tpu.memory_space<hbm>>) target(%dma_start3A_244 : memref<16x1024xf32, #tpu.memory_space<vmem>>) target_semaphore(%arg9 : memref<!tpu.dma_semaphore, #tpu.memory_space<semaphore_mem>>)
      } else {
      }
      %mul3A_100 = arith.constant 4 : i32
      %mul3A_101 = arith.muli %mul3A_100, %scan3A_60 : i32
      %add3A_102 = arith.constant 1 : i32
      %add3A_103 = arith.addi %mul3A_101, %add3A_102 : i32
      %mul3A_104 = arith.constant 16 : i32
      %mul3A_105 = arith.muli %add3A_103, %mul3A_104 : i32
      %add3A_106 = arith.addi %mul3A_2, %mul3A_105 : i32
      %dma_wait3A_107 = arith.constant 1 : i32
      %dma_wait3A_108 = arith.constant 0 : i32
      %dma_wait3A_109 = arith.constant 0 : i32
      %dma_wait3A_110 = tpu.memref_slice %arg5[%dma_wait3A_107, %dma_wait3A_108, %dma_wait3A_109] : memref<4x16x1024xf32, #tpu.memory_space<vmem>> -> memref<1x16x1024xf32, #tpu.memory_space<vmem>>
      %dma_wait3A_111 = tpu.memref_squeeze %dma_wait3A_110 : memref<1x16x1024xf32, #tpu.memory_space<vmem>> -> memref<16x1024xf32, #tpu.memory_space<vmem>>
      %dma_wait3A_112 = arith.constant 0 : i32
      %dma_wait3A_113 = tpu.memref_slice %arg2[%add3A_106, %dma_wait3A_112] : memref<32768x1024xf32, #tpu.memory_space<hbm>> -> memref<16x1024xf32, #tpu.memory_space<hbm>>
      %dma_wait3A_114 = arith.constant 0 : i32
      %dma_wait3A_115 = arith.constant 0 : i32
      %dma_wait3A_116 = tpu.memref_slice %arg5[%dma_wait3A_107, %dma_wait3A_114, %dma_wait3A_115] : memref<4x16x1024xf32, #tpu.memory_space<vmem>> -> memref<1x16x1024xf32, #tpu.memory_space<vmem>>
      %dma_wait3A_117 = tpu.memref_squeeze %dma_wait3A_116 : memref<1x16x1024xf32, #tpu.memory_space<vmem>> -> memref<16x1024xf32, #tpu.memory_space<vmem>>
      %dma_wait3A_118 = arith.constant 0 : i32
      %dma_wait3A_119 = tpu.memref_slice %arg2[%add3A_106, %dma_wait3A_118] : memref<32768x1024xf32, #tpu.memory_space<hbm>> -> memref<16x1024xf32, #tpu.memory_space<hbm>>
      tpu.wait_dma2 semaphore(%arg8 : memref<!tpu.dma_semaphore, #tpu.memory_space<semaphore_mem>>) src(%dma_wait3A_119 : memref<16x1024xf32, #tpu.memory_space<hbm>>) dst(%dma_wait3A_117 : memref<16x1024xf32, #tpu.memory_space<vmem>>)
      %dma_start3A_120 = arith.constant 1 : i32
      %dma_start3A_121 = arith.constant 0 : i32
      %dma_start3A_122 = arith.constant 0 : i32
      %dma_start3A_123 = tpu.memref_slice %arg5[%dma_start3A_120, %dma_start3A_121, %dma_start3A_122] : memref<4x16x1024xf32, #tpu.memory_space<vmem>> -> memref<1x16x1024xf32, #tpu.memory_space<vmem>>
      %dma_start3A_124 = tpu.memref_squeeze %dma_start3A_123 : memref<1x16x1024xf32, #tpu.memory_space<vmem>> -> memref<16x1024xf32, #tpu.memory_space<vmem>>
      %dma_start3A_125 = arith.constant 0 : i32
      %dma_start3A_126 = tpu.memref_slice %arg6[%add3A_103, %dma_start3A_125] : memref<64x16xi32, #tpu.memory_space<vmem>> -> memref<1x16xi32, #tpu.memory_space<vmem>>
      %dma_start3A_127 = tpu.memref_squeeze %dma_start3A_126 : memref<1x16xi32, #tpu.memory_space<vmem>> -> memref<16xi32, #tpu.memory_space<vmem>>
      %dma_start3A_128 = arith.constant 0 : i32
      %dma_start3A_129 = arith.constant 0 : i32
      %dma_start3A_130 = tpu.memref_slice %arg4[%dma_start3A_128, %dma_start3A_129] : memref<32768x1024xf32, #tpu.memory_space<hbm>> -> memref<32768x1024xf32, #tpu.memory_space<hbm>>
      tpu.enqueue_indirect_dma source(%dma_start3A_124 : memref<16x1024xf32, #tpu.memory_space<vmem>>) target(%dma_start3A_130 : memref<32768x1024xf32, #tpu.memory_space<hbm>>) offsets(%dma_start3A_127 : memref<16xi32, #tpu.memory_space<vmem>>) semaphore(%arg12 : memref<!tpu.dma_semaphore, #tpu.memory_space<semaphore_mem>>)
      %ge3A_131 = arith.constant 2 : i32
      %ge3A_132 = arith.cmpi sge, %add3A_103, %ge3A_131 : i32
      %convert_element_type3A_133 = arith.extui %ge3A_132 : i1 to i32
      %cond3A_134 = arith.constant 0 : i32
      %cond3A_135 = arith.cmpi ne, %convert_element_type3A_133, %cond3A_134 : i32
      scf.if %cond3A_135 {
        %sub3A = arith.constant 2 : i32
        %sub3A_229 = arith.subi %add3A_103, %sub3A : i32
        %dma_wait3A_230 = arith.constant 3 : i32
        %dma_wait3A_231 = arith.constant 0 : i32
        %dma_wait3A_232 = arith.constant 0 : i32
        %dma_wait3A_233 = tpu.memref_slice %arg5[%dma_wait3A_230, %dma_wait3A_231, %dma_wait3A_232] : memref<4x16x1024xf32, #tpu.memory_space<vmem>> -> memref<1x16x1024xf32, #tpu.memory_space<vmem>>
        %dma_wait3A_234 = tpu.memref_squeeze %dma_wait3A_233 : memref<1x16x1024xf32, #tpu.memory_space<vmem>> -> memref<16x1024xf32, #tpu.memory_space<vmem>>
        %dma_wait3A_235 = arith.constant 0 : i32
        %dma_wait3A_236 = tpu.memref_slice %arg6[%sub3A_229, %dma_wait3A_235] : memref<64x16xi32, #tpu.memory_space<vmem>> -> memref<1x16xi32, #tpu.memory_space<vmem>>
        %dma_wait3A_237 = tpu.memref_squeeze %dma_wait3A_236 : memref<1x16xi32, #tpu.memory_space<vmem>> -> memref<16xi32, #tpu.memory_space<vmem>>
        %dma_wait3A_238 = arith.constant 0 : i32
        %dma_wait3A_239 = arith.constant 0 : i32
        %dma_wait3A_240 = tpu.memref_slice %arg4[%dma_wait3A_238, %dma_wait3A_239] : memref<32768x1024xf32, #tpu.memory_space<hbm>> -> memref<32768x1024xf32, #tpu.memory_space<hbm>>
        tpu.wait_indirect_dma semaphore(%arg14 : memref<!tpu.dma_semaphore, #tpu.memory_space<semaphore_mem>>) src(%dma_wait3A_234 : memref<16x1024xf32, #tpu.memory_space<vmem>>) dst(%dma_wait3A_240 : memref<32768x1024xf32, #tpu.memory_space<hbm>>)
      } else {
      }
      %add3A_136 = arith.constant 2 : i32
      %add3A_137 = arith.addi %add3A_103, %add3A_136 : i32
      %lt3A_138 = arith.constant 64 : i32
      %lt3A_139 = arith.cmpi slt, %add3A_137, %lt3A_138 : i32
      %convert_element_type3A_140 = arith.extui %lt3A_139 : i1 to i32
      %cond3A_141 = arith.constant 0 : i32
      %cond3A_142 = arith.cmpi ne, %convert_element_type3A_140, %cond3A_141 : i32
      scf.if %cond3A_142 {
        %add3A_229 = arith.constant 2 : i32
        %add3A_230 = arith.addi %add3A_103, %add3A_229 : i32
        %mul3A_231 = arith.constant 16 : i32
        %mul3A_232 = arith.muli %add3A_230, %mul3A_231 : i32
        %add3A_233 = arith.addi %mul3A_2, %mul3A_232 : i32
        %dma_start3A_234 = arith.constant 3 : i32
        %dma_start3A_235 = arith.constant 0 : i32
        %dma_start3A_236 = arith.constant 0 : i32
        %dma_start3A_237 = tpu.memref_slice %arg5[%dma_start3A_234, %dma_start3A_235, %dma_start3A_236] : memref<4x16x1024xf32, #tpu.memory_space<vmem>> -> memref<1x16x1024xf32, #tpu.memory_space<vmem>>
        %dma_start3A_238 = tpu.memref_squeeze %dma_start3A_237 : memref<1x16x1024xf32, #tpu.memory_space<vmem>> -> memref<16x1024xf32, #tpu.memory_space<vmem>>
        %dma_start3A_239 = arith.constant 0 : i32
        %dma_start3A_240 = tpu.memref_slice %arg2[%add3A_233, %dma_start3A_239] : memref<32768x1024xf32, #tpu.memory_space<hbm>> -> memref<16x1024xf32, #tpu.memory_space<hbm>>
        %dma_start3A_241 = arith.constant 0 : i32
        %dma_start3A_242 = arith.constant 0 : i32
        %dma_start3A_243 = tpu.memref_slice %arg5[%dma_start3A_234, %dma_start3A_241, %dma_start3A_242] : memref<4x16x1024xf32, #tpu.memory_space<vmem>> -> memref<1x16x1024xf32, #tpu.memory_space<vmem>>
        %dma_start3A_244 = tpu.memref_squeeze %dma_start3A_243 : memref<1x16x1024xf32, #tpu.memory_space<vmem>> -> memref<16x1024xf32, #tpu.memory_space<vmem>>
        %dma_start3A_245 = arith.constant 0 : i32
        %dma_start3A_246 = tpu.memref_slice %arg2[%add3A_233, %dma_start3A_245] : memref<32768x1024xf32, #tpu.memory_space<hbm>> -> memref<16x1024xf32, #tpu.memory_space<hbm>>
        tpu.enqueue_dma source(%dma_start3A_246 : memref<16x1024xf32, #tpu.memory_space<hbm>>) target(%dma_start3A_244 : memref<16x1024xf32, #tpu.memory_space<vmem>>) target_semaphore(%arg10 : memref<!tpu.dma_semaphore, #tpu.memory_space<semaphore_mem>>)
      } else {
      }
      %mul3A_143 = arith.constant 4 : i32
      %mul3A_144 = arith.muli %mul3A_143, %scan3A_60 : i32
      %add3A_145 = arith.constant 2 : i32
      %add3A_146 = arith.addi %mul3A_144, %add3A_145 : i32
      %mul3A_147 = arith.constant 16 : i32
      %mul3A_148 = arith.muli %add3A_146, %mul3A_147 : i32
      %add3A_149 = arith.addi %mul3A_2, %mul3A_148 : i32
      %dma_wait3A_150 = arith.constant 2 : i32
      %dma_wait3A_151 = arith.constant 0 : i32
      %dma_wait3A_152 = arith.constant 0 : i32
      %dma_wait3A_153 = tpu.memref_slice %arg5[%dma_wait3A_150, %dma_wait3A_151, %dma_wait3A_152] : memref<4x16x1024xf32, #tpu.memory_space<vmem>> -> memref<1x16x1024xf32, #tpu.memory_space<vmem>>
      %dma_wait3A_154 = tpu.memref_squeeze %dma_wait3A_153 : memref<1x16x1024xf32, #tpu.memory_space<vmem>> -> memref<16x1024xf32, #tpu.memory_space<vmem>>
      %dma_wait3A_155 = arith.constant 0 : i32
      %dma_wait3A_156 = tpu.memref_slice %arg2[%add3A_149, %dma_wait3A_155] : memref<32768x1024xf32, #tpu.memory_space<hbm>> -> memref<16x1024xf32, #tpu.memory_space<hbm>>
      %dma_wait3A_157 = arith.constant 0 : i32
      %dma_wait3A_158 = arith.constant 0 : i32
      %dma_wait3A_159 = tpu.memref_slice %arg5[%dma_wait3A_150, %dma_wait3A_157, %dma_wait3A_158] : memref<4x16x1024xf32, #tpu.memory_space<vmem>> -> memref<1x16x1024xf32, #tpu.memory_space<vmem>>
      %dma_wait3A_160 = tpu.memref_squeeze %dma_wait3A_159 : memref<1x16x1024xf32, #tpu.memory_space<vmem>> -> memref<16x1024xf32, #tpu.memory_space<vmem>>
      %dma_wait3A_161 = arith.constant 0 : i32
      %dma_wait3A_162 = tpu.memref_slice %arg2[%add3A_149, %dma_wait3A_161] : memref<32768x1024xf32, #tpu.memory_space<hbm>> -> memref<16x1024xf32, #tpu.memory_space<hbm>>
      tpu.wait_dma2 semaphore(%arg9 : memref<!tpu.dma_semaphore, #tpu.memory_space<semaphore_mem>>) src(%dma_wait3A_162 : memref<16x1024xf32, #tpu.memory_space<hbm>>) dst(%dma_wait3A_160 : memref<16x1024xf32, #tpu.memory_space<vmem>>)
      %dma_start3A_163 = arith.constant 2 : i32
      %dma_start3A_164 = arith.constant 0 : i32
      %dma_start3A_165 = arith.constant 0 : i32
      %dma_start3A_166 = tpu.memref_slice %arg5[%dma_start3A_163, %dma_start3A_164, %dma_start3A_165] : memref<4x16x1024xf32, #tpu.memory_space<vmem>> -> memref<1x16x1024xf32, #tpu.memory_space<vmem>>
      %dma_start3A_167 = tpu.memref_squeeze %dma_start3A_166 : memref<1x16x1024xf32, #tpu.memory_space<vmem>> -> memref<16x1024xf32, #tpu.memory_space<vmem>>
      %dma_start3A_168 = arith.constant 0 : i32
      %dma_start3A_169 = tpu.memref_slice %arg6[%add3A_146, %dma_start3A_168] : memref<64x16xi32, #tpu.memory_space<vmem>> -> memref<1x16xi32, #tpu.memory_space<vmem>>
      %dma_start3A_170 = tpu.memref_squeeze %dma_start3A_169 : memref<1x16xi32, #tpu.memory_space<vmem>> -> memref<16xi32, #tpu.memory_space<vmem>>
      %dma_start3A_171 = arith.constant 0 : i32
      %dma_start3A_172 = arith.constant 0 : i32
      %dma_start3A_173 = tpu.memref_slice %arg4[%dma_start3A_171, %dma_start3A_172] : memref<32768x1024xf32, #tpu.memory_space<hbm>> -> memref<32768x1024xf32, #tpu.memory_space<hbm>>
      tpu.enqueue_indirect_dma source(%dma_start3A_167 : memref<16x1024xf32, #tpu.memory_space<vmem>>) target(%dma_start3A_173 : memref<32768x1024xf32, #tpu.memory_space<hbm>>) offsets(%dma_start3A_170 : memref<16xi32, #tpu.memory_space<vmem>>) semaphore(%arg13 : memref<!tpu.dma_semaphore, #tpu.memory_space<semaphore_mem>>)
      %ge3A_174 = arith.constant 2 : i32
      %ge3A_175 = arith.cmpi sge, %add3A_146, %ge3A_174 : i32
      %convert_element_type3A_176 = arith.extui %ge3A_175 : i1 to i32
      %cond3A_177 = arith.constant 0 : i32
      %cond3A_178 = arith.cmpi ne, %convert_element_type3A_176, %cond3A_177 : i32
      scf.if %cond3A_178 {
        %sub3A = arith.constant 2 : i32
        %sub3A_229 = arith.subi %add3A_146, %sub3A : i32
        %dma_wait3A_230 = arith.constant 0 : i32
        %dma_wait3A_231 = arith.constant 0 : i32
        %dma_wait3A_232 = arith.constant 0 : i32
        %dma_wait3A_233 = tpu.memref_slice %arg5[%dma_wait3A_230, %dma_wait3A_231, %dma_wait3A_232] : memref<4x16x1024xf32, #tpu.memory_space<vmem>> -> memref<1x16x1024xf32, #tpu.memory_space<vmem>>
        %dma_wait3A_234 = tpu.memref_squeeze %dma_wait3A_233 : memref<1x16x1024xf32, #tpu.memory_space<vmem>> -> memref<16x1024xf32, #tpu.memory_space<vmem>>
        %dma_wait3A_235 = arith.constant 0 : i32
        %dma_wait3A_236 = tpu.memref_slice %arg6[%sub3A_229, %dma_wait3A_235] : memref<64x16xi32, #tpu.memory_space<vmem>> -> memref<1x16xi32, #tpu.memory_space<vmem>>
        %dma_wait3A_237 = tpu.memref_squeeze %dma_wait3A_236 : memref<1x16xi32, #tpu.memory_space<vmem>> -> memref<16xi32, #tpu.memory_space<vmem>>
        %dma_wait3A_238 = arith.constant 0 : i32
        %dma_wait3A_239 = arith.constant 0 : i32
        %dma_wait3A_240 = tpu.memref_slice %arg4[%dma_wait3A_238, %dma_wait3A_239] : memref<32768x1024xf32, #tpu.memory_space<hbm>> -> memref<32768x1024xf32, #tpu.memory_space<hbm>>
        tpu.wait_indirect_dma semaphore(%arg11 : memref<!tpu.dma_semaphore, #tpu.memory_space<semaphore_mem>>) src(%dma_wait3A_234 : memref<16x1024xf32, #tpu.memory_space<vmem>>) dst(%dma_wait3A_240 : memref<32768x1024xf32, #tpu.memory_space<hbm>>)
      } else {
      }
      %add3A_179 = arith.constant 2 : i32
      %add3A_180 = arith.addi %add3A_146, %add3A_179 : i32
      %lt3A_181 = arith.constant 64 : i32
      %lt3A_182 = arith.cmpi slt, %add3A_180, %lt3A_181 : i32
      %convert_element_type3A_183 = arith.extui %lt3A_182 : i1 to i32
      %cond3A_184 = arith.constant 0 : i32
      %cond3A_185 = arith.cmpi ne, %convert_element_type3A_183, %cond3A_184 : i32
      scf.if %cond3A_185 {
        %add3A_229 = arith.constant 2 : i32
        %add3A_230 = arith.addi %add3A_146, %add3A_229 : i32
        %mul3A_231 = arith.constant 16 : i32
        %mul3A_232 = arith.muli %add3A_230, %mul3A_231 : i32
        %add3A_233 = arith.addi %mul3A_2, %mul3A_232 : i32
        %dma_start3A_234 = arith.constant 0 : i32
        %dma_start3A_235 = arith.constant 0 : i32
        %dma_start3A_236 = arith.constant 0 : i32
        %dma_start3A_237 = tpu.memref_slice %arg5[%dma_start3A_234, %dma_start3A_235, %dma_start3A_236] : memref<4x16x1024xf32, #tpu.memory_space<vmem>> -> memref<1x16x1024xf32, #tpu.memory_space<vmem>>
        %dma_start3A_238 = tpu.memref_squeeze %dma_start3A_237 : memref<1x16x1024xf32, #tpu.memory_space<vmem>> -> memref<16x1024xf32, #tpu.memory_space<vmem>>
        %dma_start3A_239 = arith.constant 0 : i32
        %dma_start3A_240 = tpu.memref_slice %arg2[%add3A_233, %dma_start3A_239] : memref<32768x1024xf32, #tpu.memory_space<hbm>> -> memref<16x1024xf32, #tpu.memory_space<hbm>>
        %dma_start3A_241 = arith.constant 0 : i32
        %dma_start3A_242 = arith.constant 0 : i32
        %dma_start3A_243 = tpu.memref_slice %arg5[%dma_start3A_234, %dma_start3A_241, %dma_start3A_242] : memref<4x16x1024xf32, #tpu.memory_space<vmem>> -> memref<1x16x1024xf32, #tpu.memory_space<vmem>>
        %dma_start3A_244 = tpu.memref_squeeze %dma_start3A_243 : memref<1x16x1024xf32, #tpu.memory_space<vmem>> -> memref<16x1024xf32, #tpu.memory_space<vmem>>
        %dma_start3A_245 = arith.constant 0 : i32
        %dma_start3A_246 = tpu.memref_slice %arg2[%add3A_233, %dma_start3A_245] : memref<32768x1024xf32, #tpu.memory_space<hbm>> -> memref<16x1024xf32, #tpu.memory_space<hbm>>
        tpu.enqueue_dma source(%dma_start3A_246 : memref<16x1024xf32, #tpu.memory_space<hbm>>) target(%dma_start3A_244 : memref<16x1024xf32, #tpu.memory_space<vmem>>) target_semaphore(%arg7 : memref<!tpu.dma_semaphore, #tpu.memory_space<semaphore_mem>>)
      } else {
      }
      %mul3A_186 = arith.constant 4 : i32
      %mul3A_187 = arith.muli %mul3A_186, %scan3A_60 : i32
      %add3A_188 = arith.constant 3 : i32
      %add3A_189 = arith.addi %mul3A_187, %add3A_188 : i32
      %mul3A_190 = arith.constant 16 : i32
      %mul3A_191 = arith.muli %add3A_189, %mul3A_190 : i32
      %add3A_192 = arith.addi %mul3A_2, %mul3A_191 : i32
      %dma_wait3A_193 = arith.constant 3 : i32
      %dma_wait3A_194 = arith.constant 0 : i32
      %dma_wait3A_195 = arith.constant 0 : i32
      %dma_wait3A_196 = tpu.memref_slice %arg5[%dma_wait3A_193, %dma_wait3A_194, %dma_wait3A_195] : memref<4x16x1024xf32, #tpu.memory_space<vmem>> -> memref<1x16x1024xf32, #tpu.memory_space<vmem>>
      %dma_wait3A_197 = tpu.memref_squeeze %dma_wait3A_196 : memref<1x16x1024xf32, #tpu.memory_space<vmem>> -> memref<16x1024xf32, #tpu.memory_space<vmem>>
      %dma_wait3A_198 = arith.constant 0 : i32
      %dma_wait3A_199 = tpu.memref_slice %arg2[%add3A_192, %dma_wait3A_198] : memref<32768x1024xf32, #tpu.memory_space<hbm>> -> memref<16x1024xf32, #tpu.memory_space<hbm>>
      %dma_wait3A_200 = arith.constant 0 : i32
      %dma_wait3A_201 = arith.constant 0 : i32
      %dma_wait3A_202 = tpu.memref_slice %arg5[%dma_wait3A_193, %dma_wait3A_200, %dma_wait3A_201] : memref<4x16x1024xf32, #tpu.memory_space<vmem>> -> memref<1x16x1024xf32, #tpu.memory_space<vmem>>
      %dma_wait3A_203 = tpu.memref_squeeze %dma_wait3A_202 : memref<1x16x1024xf32, #tpu.memory_space<vmem>> -> memref<16x1024xf32, #tpu.memory_space<vmem>>
      %dma_wait3A_204 = arith.constant 0 : i32
      %dma_wait3A_205 = tpu.memref_slice %arg2[%add3A_192, %dma_wait3A_204] : memref<32768x1024xf32, #tpu.memory_space<hbm>> -> memref<16x1024xf32, #tpu.memory_space<hbm>>
      tpu.wait_dma2 semaphore(%arg10 : memref<!tpu.dma_semaphore, #tpu.memory_space<semaphore_mem>>) src(%dma_wait3A_205 : memref<16x1024xf32, #tpu.memory_space<hbm>>) dst(%dma_wait3A_203 : memref<16x1024xf32, #tpu.memory_space<vmem>>)
      %dma_start3A_206 = arith.constant 3 : i32
      %dma_start3A_207 = arith.constant 0 : i32
      %dma_start3A_208 = arith.constant 0 : i32
      %dma_start3A_209 = tpu.memref_slice %arg5[%dma_start3A_206, %dma_start3A_207, %dma_start3A_208] : memref<4x16x1024xf32, #tpu.memory_space<vmem>> -> memref<1x16x1024xf32, #tpu.memory_space<vmem>>
      %dma_start3A_210 = tpu.memref_squeeze %dma_start3A_209 : memref<1x16x1024xf32, #tpu.memory_space<vmem>> -> memref<16x1024xf32, #tpu.memory_space<vmem>>
      %dma_start3A_211 = arith.constant 0 : i32
      %dma_start3A_212 = tpu.memref_slice %arg6[%add3A_189, %dma_start3A_211] : memref<64x16xi32, #tpu.memory_space<vmem>> -> memref<1x16xi32, #tpu.memory_space<vmem>>
      %dma_start3A_213 = tpu.memref_squeeze %dma_start3A_212 : memref<1x16xi32, #tpu.memory_space<vmem>> -> memref<16xi32, #tpu.memory_space<vmem>>
      %dma_start3A_214 = arith.constant 0 : i32
      %dma_start3A_215 = arith.constant 0 : i32
      %dma_start3A_216 = tpu.memref_slice %arg4[%dma_start3A_214, %dma_start3A_215] : memref<32768x1024xf32, #tpu.memory_space<hbm>> -> memref<32768x1024xf32, #tpu.memory_space<hbm>>
      tpu.enqueue_indirect_dma source(%dma_start3A_210 : memref<16x1024xf32, #tpu.memory_space<vmem>>) target(%dma_start3A_216 : memref<32768x1024xf32, #tpu.memory_space<hbm>>) offsets(%dma_start3A_213 : memref<16xi32, #tpu.memory_space<vmem>>) semaphore(%arg14 : memref<!tpu.dma_semaphore, #tpu.memory_space<semaphore_mem>>)
      %ge3A_217 = arith.constant 2 : i32
      %ge3A_218 = arith.cmpi sge, %add3A_189, %ge3A_217 : i32
      %convert_element_type3A_219 = arith.extui %ge3A_218 : i1 to i32
      %cond3A_220 = arith.constant 0 : i32
      %cond3A_221 = arith.cmpi ne, %convert_element_type3A_219, %cond3A_220 : i32
      scf.if %cond3A_221 {
        %sub3A = arith.constant 2 : i32
        %sub3A_229 = arith.subi %add3A_189, %sub3A : i32
        %dma_wait3A_230 = arith.constant 1 : i32
        %dma_wait3A_231 = arith.constant 0 : i32
        %dma_wait3A_232 = arith.constant 0 : i32
        %dma_wait3A_233 = tpu.memref_slice %arg5[%dma_wait3A_230, %dma_wait3A_231, %dma_wait3A_232] : memref<4x16x1024xf32, #tpu.memory_space<vmem>> -> memref<1x16x1024xf32, #tpu.memory_space<vmem>>
        %dma_wait3A_234 = tpu.memref_squeeze %dma_wait3A_233 : memref<1x16x1024xf32, #tpu.memory_space<vmem>> -> memref<16x1024xf32, #tpu.memory_space<vmem>>
        %dma_wait3A_235 = arith.constant 0 : i32
        %dma_wait3A_236 = tpu.memref_slice %arg6[%sub3A_229, %dma_wait3A_235] : memref<64x16xi32, #tpu.memory_space<vmem>> -> memref<1x16xi32, #tpu.memory_space<vmem>>
        %dma_wait3A_237 = tpu.memref_squeeze %dma_wait3A_236 : memref<1x16xi32, #tpu.memory_space<vmem>> -> memref<16xi32, #tpu.memory_space<vmem>>
        %dma_wait3A_238 = arith.constant 0 : i32
        %dma_wait3A_239 = arith.constant 0 : i32
        %dma_wait3A_240 = tpu.memref_slice %arg4[%dma_wait3A_238, %dma_wait3A_239] : memref<32768x1024xf32, #tpu.memory_space<hbm>> -> memref<32768x1024xf32, #tpu.memory_space<hbm>>
        tpu.wait_indirect_dma semaphore(%arg12 : memref<!tpu.dma_semaphore, #tpu.memory_space<semaphore_mem>>) src(%dma_wait3A_234 : memref<16x1024xf32, #tpu.memory_space<vmem>>) dst(%dma_wait3A_240 : memref<32768x1024xf32, #tpu.memory_space<hbm>>)
      } else {
      }
      %add3A_222 = arith.constant 2 : i32
      %add3A_223 = arith.addi %add3A_189, %add3A_222 : i32
      %lt3A_224 = arith.constant 64 : i32
      %lt3A_225 = arith.cmpi slt, %add3A_223, %lt3A_224 : i32
      %convert_element_type3A_226 = arith.extui %lt3A_225 : i1 to i32
      %cond3A_227 = arith.constant 0 : i32
      %cond3A_228 = arith.cmpi ne, %convert_element_type3A_226, %cond3A_227 : i32
      scf.if %cond3A_228 {
        %add3A_229 = arith.constant 2 : i32
        %add3A_230 = arith.addi %add3A_189, %add3A_229 : i32
        %mul3A_231 = arith.constant 16 : i32
        %mul3A_232 = arith.muli %add3A_230, %mul3A_231 : i32
        %add3A_233 = arith.addi %mul3A_2, %mul3A_232 : i32
        %dma_start3A_234 = arith.constant 1 : i32
        %dma_start3A_235 = arith.constant 0 : i32
        %dma_start3A_236 = arith.constant 0 : i32
        %dma_start3A_237 = tpu.memref_slice %arg5[%dma_start3A_234, %dma_start3A_235, %dma_start3A_236] : memref<4x16x1024xf32, #tpu.memory_space<vmem>> -> memref<1x16x1024xf32, #tpu.memory_space<vmem>>
        %dma_start3A_238 = tpu.memref_squeeze %dma_start3A_237 : memref<1x16x1024xf32, #tpu.memory_space<vmem>> -> memref<16x1024xf32, #tpu.memory_space<vmem>>
        %dma_start3A_239 = arith.constant 0 : i32
        %dma_start3A_240 = tpu.memref_slice %arg2[%add3A_233, %dma_start3A_239] : memref<32768x1024xf32, #tpu.memory_space<hbm>> -> memref<16x1024xf32, #tpu.memory_space<hbm>>
        %dma_start3A_241 = arith.constant 0 : i32
        %dma_start3A_242 = arith.constant 0 : i32
        %dma_start3A_243 = tpu.memref_slice %arg5[%dma_start3A_234, %dma_start3A_241, %dma_start3A_242] : memref<4x16x1024xf32, #tpu.memory_space<vmem>> -> memref<1x16x1024xf32, #tpu.memory_space<vmem>>
        %dma_start3A_244 = tpu.memref_squeeze %dma_start3A_243 : memref<1x16x1024xf32, #tpu.memory_space<vmem>> -> memref<16x1024xf32, #tpu.memory_space<vmem>>
        %dma_start3A_245 = arith.constant 0 : i32
        %dma_start3A_246 = tpu.memref_slice %arg2[%add3A_233, %dma_start3A_245] : memref<32768x1024xf32, #tpu.memory_space<hbm>> -> memref<16x1024xf32, #tpu.memory_space<hbm>>
        tpu.enqueue_dma source(%dma_start3A_246 : memref<16x1024xf32, #tpu.memory_space<hbm>>) target(%dma_start3A_244 : memref<16x1024xf32, #tpu.memory_space<vmem>>) target_semaphore(%arg8 : memref<!tpu.dma_semaphore, #tpu.memory_space<semaphore_mem>>)
      } else {
      }
    }
    %scan3A_36 = arith.constant 16 : i32
    %dma_wait3A = arith.constant 2 : i32
    %dma_wait3A_37 = arith.constant 62 : i32
    %dma_wait3A_38 = arith.constant 0 : i32
    %dma_wait3A_39 = arith.constant 0 : i32
    %dma_wait3A_40 = tpu.memref_slice %arg5[%dma_wait3A, %dma_wait3A_38, %dma_wait3A_39] : memref<4x16x1024xf32, #tpu.memory_space<vmem>> -> memref<1x16x1024xf32, #tpu.memory_space<vmem>>
    %dma_wait3A_41 = tpu.memref_squeeze %dma_wait3A_40 : memref<1x16x1024xf32, #tpu.memory_space<vmem>> -> memref<16x1024xf32, #tpu.memory_space<vmem>>
    %dma_wait3A_42 = arith.constant 0 : i32
    %dma_wait3A_43 = tpu.memref_slice %arg6[%dma_wait3A_37, %dma_wait3A_42] : memref<64x16xi32, #tpu.memory_space<vmem>> -> memref<1x16xi32, #tpu.memory_space<vmem>>
    %dma_wait3A_44 = tpu.memref_squeeze %dma_wait3A_43 : memref<1x16xi32, #tpu.memory_space<vmem>> -> memref<16xi32, #tpu.memory_space<vmem>>
    %dma_wait3A_45 = arith.constant 0 : i32
    %dma_wait3A_46 = arith.constant 0 : i32
    %dma_wait3A_47 = tpu.memref_slice %arg4[%dma_wait3A_45, %dma_wait3A_46] : memref<32768x1024xf32, #tpu.memory_space<hbm>> -> memref<32768x1024xf32, #tpu.memory_space<hbm>>
    tpu.wait_indirect_dma semaphore(%arg13 : memref<!tpu.dma_semaphore, #tpu.memory_space<semaphore_mem>>) src(%dma_wait3A_41 : memref<16x1024xf32, #tpu.memory_space<vmem>>) dst(%dma_wait3A_47 : memref<32768x1024xf32, #tpu.memory_space<hbm>>)
    %dma_wait3A_48 = arith.constant 3 : i32
    %dma_wait3A_49 = arith.constant 63 : i32
    %dma_wait3A_50 = arith.constant 0 : i32
    %dma_wait3A_51 = arith.constant 0 : i32
    %dma_wait3A_52 = tpu.memref_slice %arg5[%dma_wait3A_48, %dma_wait3A_50, %dma_wait3A_51] : memref<4x16x1024xf32, #tpu.memory_space<vmem>> -> memref<1x16x1024xf32, #tpu.memory_space<vmem>>
    %dma_wait3A_53 = tpu.memref_squeeze %dma_wait3A_52 : memref<1x16x1024xf32, #tpu.memory_space<vmem>> -> memref<16x1024xf32, #tpu.memory_space<vmem>>
    %dma_wait3A_54 = arith.constant 0 : i32
    %dma_wait3A_55 = tpu.memref_slice %arg6[%dma_wait3A_49, %dma_wait3A_54] : memref<64x16xi32, #tpu.memory_space<vmem>> -> memref<1x16xi32, #tpu.memory_space<vmem>>
    %dma_wait3A_56 = tpu.memref_squeeze %dma_wait3A_55 : memref<1x16xi32, #tpu.memory_space<vmem>> -> memref<16xi32, #tpu.memory_space<vmem>>
    %dma_wait3A_57 = arith.constant 0 : i32
    %dma_wait3A_58 = arith.constant 0 : i32
    %dma_wait3A_59 = tpu.memref_slice %arg4[%dma_wait3A_57, %dma_wait3A_58] : memref<32768x1024xf32, #tpu.memory_space<hbm>> -> memref<32768x1024xf32, #tpu.memory_space<hbm>>
    tpu.wait_indirect_dma semaphore(%arg14 : memref<!tpu.dma_semaphore, #tpu.memory_space<semaphore_mem>>) src(%dma_wait3A_53 : memref<16x1024xf32, #tpu.memory_space<vmem>>) dst(%dma_wait3A_59 : memref<32768x1024xf32, #tpu.memory_space<hbm>>)
    return
  }
}

module attributes {stable_mosaic.version = 14 : i64} {
  func.func @_keys_body(%arg0: i32, %arg1: i32, %arg2: memref<1x1024x1024xf32, #tpu.memory_space<vmem>>, %arg3: memref<1x1x1024xf32, #tpu.memory_space<vmem>>) attributes {dimension_semantics = [#tpu.dimension_semantics<arbitrary>, #tpu.dimension_semantics<arbitrary>], iteration_bounds = array<i64: 4, 8>, scalar_prefetch = 0 : i64, scratch_operands = 0 : i64, tpu.core_type = #tpu.core_type<tc>, window_params = [{transform_indices = @transform_0, window_bounds = array<i64: 1, 1024, 1024>}, {transform_indices = @transform_1, window_bounds = array<i64: 1, 1, 1024>}]} {
    %get3A = arith.constant 0 : index
    %get3A_0 = arith.constant 0 : index
    %get3A_1 = arith.constant 0 : index
    %get3A_2 = vector.load %arg2[%get3A, %get3A_0, %get3A_1] : memref<1x1024x1024xf32, #tpu.memory_space<vmem>>, vector<1x1024x1024xf32>
    %get3A_3 = vector.shape_cast %get3A_2 : vector<1x1024x1024xf32> to vector<1024x1024xf32>
    %slice3A = vector.extract_strided_slice %get3A_3 {offsets = [0, 0], sizes = [1024, 128], strides = [1, 1]} : vector<1024x1024xf32> to vector<1024x128xf32>
    %slice3A_4 = vector.extract_strided_slice %get3A_3 {offsets = [0, 128], sizes = [1024, 128], strides = [1, 1]} : vector<1024x1024xf32> to vector<1024x128xf32>
    %add3A = arith.addf %slice3A, %slice3A_4 : vector<1024x128xf32>
    %slice3A_5 = vector.extract_strided_slice %get3A_3 {offsets = [0, 256], sizes = [1024, 128], strides = [1, 1]} : vector<1024x1024xf32> to vector<1024x128xf32>
    %add3A_6 = arith.addf %add3A, %slice3A_5 : vector<1024x128xf32>
    %slice3A_7 = vector.extract_strided_slice %get3A_3 {offsets = [0, 384], sizes = [1024, 128], strides = [1, 1]} : vector<1024x1024xf32> to vector<1024x128xf32>
    %add3A_8 = arith.addf %add3A_6, %slice3A_7 : vector<1024x128xf32>
    %slice3A_9 = vector.extract_strided_slice %get3A_3 {offsets = [0, 512], sizes = [1024, 128], strides = [1, 1]} : vector<1024x1024xf32> to vector<1024x128xf32>
    %add3A_10 = arith.addf %add3A_8, %slice3A_9 : vector<1024x128xf32>
    %slice3A_11 = vector.extract_strided_slice %get3A_3 {offsets = [0, 640], sizes = [1024, 128], strides = [1, 1]} : vector<1024x1024xf32> to vector<1024x128xf32>
    %add3A_12 = arith.addf %add3A_10, %slice3A_11 : vector<1024x128xf32>
    %slice3A_13 = vector.extract_strided_slice %get3A_3 {offsets = [0, 768], sizes = [1024, 128], strides = [1, 1]} : vector<1024x1024xf32> to vector<1024x128xf32>
    %add3A_14 = arith.addf %add3A_12, %slice3A_13 : vector<1024x128xf32>
    %slice3A_15 = vector.extract_strided_slice %get3A_3 {offsets = [0, 896], sizes = [1024, 128], strides = [1, 1]} : vector<1024x1024xf32> to vector<1024x128xf32>
    %add3A_16 = arith.addf %add3A_14, %slice3A_15 : vector<1024x128xf32>
    %transpose3A = tpu.transpose %add3A_16, [1, 0] : vector<1024x128xf32> -> vector<128x1024xf32>
    %slice3A_17 = vector.extract_strided_slice %transpose3A {offsets = [0, 0], sizes = [8, 1024], strides = [1, 1]} : vector<128x1024xf32> to vector<8x1024xf32>
    %slice3A_18 = vector.extract_strided_slice %transpose3A {offsets = [8, 0], sizes = [8, 1024], strides = [1, 1]} : vector<128x1024xf32> to vector<8x1024xf32>
    %add3A_19 = arith.addf %slice3A_17, %slice3A_18 : vector<8x1024xf32>
    %slice3A_20 = vector.extract_strided_slice %transpose3A {offsets = [16, 0], sizes = [8, 1024], strides = [1, 1]} : vector<128x1024xf32> to vector<8x1024xf32>
    %add3A_21 = arith.addf %add3A_19, %slice3A_20 : vector<8x1024xf32>
    %slice3A_22 = vector.extract_strided_slice %transpose3A {offsets = [24, 0], sizes = [8, 1024], strides = [1, 1]} : vector<128x1024xf32> to vector<8x1024xf32>
    %add3A_23 = arith.addf %add3A_21, %slice3A_22 : vector<8x1024xf32>
    %slice3A_24 = vector.extract_strided_slice %transpose3A {offsets = [32, 0], sizes = [8, 1024], strides = [1, 1]} : vector<128x1024xf32> to vector<8x1024xf32>
    %add3A_25 = arith.addf %add3A_23, %slice3A_24 : vector<8x1024xf32>
    %slice3A_26 = vector.extract_strided_slice %transpose3A {offsets = [40, 0], sizes = [8, 1024], strides = [1, 1]} : vector<128x1024xf32> to vector<8x1024xf32>
    %add3A_27 = arith.addf %add3A_25, %slice3A_26 : vector<8x1024xf32>
    %slice3A_28 = vector.extract_strided_slice %transpose3A {offsets = [48, 0], sizes = [8, 1024], strides = [1, 1]} : vector<128x1024xf32> to vector<8x1024xf32>
    %add3A_29 = arith.addf %add3A_27, %slice3A_28 : vector<8x1024xf32>
    %slice3A_30 = vector.extract_strided_slice %transpose3A {offsets = [56, 0], sizes = [8, 1024], strides = [1, 1]} : vector<128x1024xf32> to vector<8x1024xf32>
    %add3A_31 = arith.addf %add3A_29, %slice3A_30 : vector<8x1024xf32>
    %slice3A_32 = vector.extract_strided_slice %transpose3A {offsets = [64, 0], sizes = [8, 1024], strides = [1, 1]} : vector<128x1024xf32> to vector<8x1024xf32>
    %add3A_33 = arith.addf %add3A_31, %slice3A_32 : vector<8x1024xf32>
    %slice3A_34 = vector.extract_strided_slice %transpose3A {offsets = [72, 0], sizes = [8, 1024], strides = [1, 1]} : vector<128x1024xf32> to vector<8x1024xf32>
    %add3A_35 = arith.addf %add3A_33, %slice3A_34 : vector<8x1024xf32>
    %slice3A_36 = vector.extract_strided_slice %transpose3A {offsets = [80, 0], sizes = [8, 1024], strides = [1, 1]} : vector<128x1024xf32> to vector<8x1024xf32>
    %add3A_37 = arith.addf %add3A_35, %slice3A_36 : vector<8x1024xf32>
    %slice3A_38 = vector.extract_strided_slice %transpose3A {offsets = [88, 0], sizes = [8, 1024], strides = [1, 1]} : vector<128x1024xf32> to vector<8x1024xf32>
    %add3A_39 = arith.addf %add3A_37, %slice3A_38 : vector<8x1024xf32>
    %slice3A_40 = vector.extract_strided_slice %transpose3A {offsets = [96, 0], sizes = [8, 1024], strides = [1, 1]} : vector<128x1024xf32> to vector<8x1024xf32>
    %add3A_41 = arith.addf %add3A_39, %slice3A_40 : vector<8x1024xf32>
    %slice3A_42 = vector.extract_strided_slice %transpose3A {offsets = [104, 0], sizes = [8, 1024], strides = [1, 1]} : vector<128x1024xf32> to vector<8x1024xf32>
    %add3A_43 = arith.addf %add3A_41, %slice3A_42 : vector<8x1024xf32>
    %slice3A_44 = vector.extract_strided_slice %transpose3A {offsets = [112, 0], sizes = [8, 1024], strides = [1, 1]} : vector<128x1024xf32> to vector<8x1024xf32>
    %add3A_45 = arith.addf %add3A_43, %slice3A_44 : vector<8x1024xf32>
    %slice3A_46 = vector.extract_strided_slice %transpose3A {offsets = [120, 0], sizes = [8, 1024], strides = [1, 1]} : vector<128x1024xf32> to vector<8x1024xf32>
    %add3A_47 = arith.addf %add3A_45, %slice3A_46 : vector<8x1024xf32>
    %slice3A_48 = vector.extract_strided_slice %add3A_47 {offsets = [0, 0], sizes = [4, 1024], strides = [1, 1]} : vector<8x1024xf32> to vector<4x1024xf32>
    %slice3A_49 = vector.extract_strided_slice %add3A_47 {offsets = [4, 0], sizes = [4, 1024], strides = [1, 1]} : vector<8x1024xf32> to vector<4x1024xf32>
    %add3A_50 = arith.addf %slice3A_48, %slice3A_49 : vector<4x1024xf32>
    %slice3A_51 = vector.extract_strided_slice %add3A_50 {offsets = [0, 0], sizes = [2, 1024], strides = [1, 1]} : vector<4x1024xf32> to vector<2x1024xf32>
    %slice3A_52 = vector.extract_strided_slice %add3A_50 {offsets = [2, 0], sizes = [2, 1024], strides = [1, 1]} : vector<4x1024xf32> to vector<2x1024xf32>
    %add3A_53 = arith.addf %slice3A_51, %slice3A_52 : vector<2x1024xf32>
    %slice3A_54 = vector.extract_strided_slice %add3A_53 {offsets = [0, 0], sizes = [1, 1024], strides = [1, 1]} : vector<2x1024xf32> to vector<1x1024xf32>
    %slice3A_55 = vector.extract_strided_slice %add3A_53 {offsets = [1, 0], sizes = [1, 1024], strides = [1, 1]} : vector<2x1024xf32> to vector<1x1024xf32>
    %add3A_56 = arith.addf %slice3A_54, %slice3A_55 : vector<1x1024xf32>
    %slice3A_57 = vector.extract_strided_slice %get3A_3 {offsets = [0, 0], sizes = [1024, 128], strides = [1, 1]} : vector<1024x1024xf32> to vector<1024x128xf32>
    %transpose3A_58 = tpu.transpose %slice3A_57, [1, 0] : vector<1024x128xf32> -> vector<128x1024xf32>
    %slice3A_59 = vector.extract_strided_slice %transpose3A_58 {offsets = [0, 0], sizes = [1, 1024], strides = [1, 1]} : vector<128x1024xf32> to vector<1x1024xf32>
    %add3A_60 = arith.addf %slice3A_59, %add3A_56 : vector<1x1024xf32>
    %squeeze3A = vector.shape_cast %add3A_60 : vector<1x1024xf32> to vector<1024xf32>
    %swap3A = arith.constant 0 : index
    %swap3A_61 = arith.constant 0 : index
    %swap3A_62 = arith.constant 0 : index
    %swap3A_63 = vector.load %arg3[%swap3A, %swap3A_61, %swap3A_62] : memref<1x1x1024xf32, #tpu.memory_space<vmem>>, vector<1x1x1024xf32>
    %swap3A_64 = vector.shape_cast %swap3A_63 : vector<1x1x1024xf32> to vector<1024xf32>
    %swap3A_65 = vector.shape_cast %squeeze3A : vector<1024xf32> to vector<1x1x1024xf32>
    tpu.vector_store %arg3[%swap3A, %swap3A_61, %swap3A_62], %swap3A_65 {strides = array<i32>} : memref<1x1x1024xf32, #tpu.memory_space<vmem>>, vector<1x1x1024xf32>,
    return
  }
  func.func @transform_0(%arg0: i32, %arg1: i32) -> (i32, i32, i32) {
    %c0_i32 = arith.constant 0 : i32
    %c0_i32_0 = arith.constant 0 : i32
    return %arg0, %arg1, %c0_i32 : i32, i32, i32
  }
  func.func @transform_1(%arg0: i32, %arg1: i32) -> (i32, i32, i32) {
    %mul3A = arith.constant 8 : i32
    %mul3A_0 = arith.muli %arg0, %mul3A : i32
    %add3A = arith.addi %mul3A_0, %arg1 : i32
    %c0_i32 = arith.constant 0 : i32
    %c0_i32_1 = arith.constant 0 : i32
    %c0_i32_2 = arith.constant 0 : i32
    return %add3A, %c0_i32, %c0_i32_1 : i32, i32, i32
  }
}

module attributes {stable_mosaic.version = 14 : i64} {
  func.func @_rank_body(%arg0: i32, %arg1: i32, %arg2: memref<1x1x1024xf32, #tpu.memory_space<vmem>>, %arg3: memref<1x1x1024xf32, #tpu.memory_space<vmem>>, %arg4: memref<1x8x1024xi32, #tpu.memory_space<vmem>>, %arg5: memref<8x1024xf32, #tpu.memory_space<vmem>>) attributes {dimension_semantics = [#tpu.dimension_semantics<arbitrary>, #tpu.dimension_semantics<arbitrary>], iteration_bounds = array<i64: 4, 36>, scalar_prefetch = 0 : i64, scratch_operands = 1 : i64, tpu.core_type = #tpu.core_type<tc>, window_params = [{transform_indices = @transform_0, window_bounds = array<i64: 1, 1, 1024>}, {transform_indices = @transform_1, window_bounds = array<i64: 1, 1, 1024>}, {transform_indices = @transform_2, window_bounds = array<i64: 1, 8, 1024>}]} {
    %ge3A = arith.constant 8 : i32
    %ge3A_0 = arith.cmpi sge, %arg1, %ge3A : i32
    %convert_element_type3A = arith.extui %ge3A_0 : i1 to i32
    %add3A = arith.constant 0 : i32
    %add3A_1 = arith.addi %add3A, %convert_element_type3A : i32
    %ge3A_2 = arith.constant 15 : i32
    %ge3A_3 = arith.cmpi sge, %arg1, %ge3A_2 : i32
    %convert_element_type3A_4 = arith.extui %ge3A_3 : i1 to i32
    %add3A_5 = arith.addi %add3A_1, %convert_element_type3A_4 : i32
    %ge3A_6 = arith.constant 21 : i32
    %ge3A_7 = arith.cmpi sge, %arg1, %ge3A_6 : i32
    %convert_element_type3A_8 = arith.extui %ge3A_7 : i1 to i32
    %add3A_9 = arith.addi %add3A_5, %convert_element_type3A_8 : i32
    %ge3A_10 = arith.constant 26 : i32
    %ge3A_11 = arith.cmpi sge, %arg1, %ge3A_10 : i32
    %convert_element_type3A_12 = arith.extui %ge3A_11 : i1 to i32
    %add3A_13 = arith.addi %add3A_9, %convert_element_type3A_12 : i32
    %ge3A_14 = arith.constant 30 : i32
    %ge3A_15 = arith.cmpi sge, %arg1, %ge3A_14 : i32
    %convert_element_type3A_16 = arith.extui %ge3A_15 : i1 to i32
    %add3A_17 = arith.addi %add3A_13, %convert_element_type3A_16 : i32
    %ge3A_18 = arith.constant 33 : i32
    %ge3A_19 = arith.cmpi sge, %arg1, %ge3A_18 : i32
    %convert_element_type3A_20 = arith.extui %ge3A_19 : i1 to i32
    %add3A_21 = arith.addi %add3A_17, %convert_element_type3A_20 : i32
    %ge3A_22 = arith.constant 35 : i32
    %ge3A_23 = arith.cmpi sge, %arg1, %ge3A_22 : i32
    %convert_element_type3A_24 = arith.extui %ge3A_23 : i1 to i32
    %add3A_25 = arith.addi %add3A_21, %convert_element_type3A_24 : i32
    %eq3A = arith.constant 1 : i32
    %eq3A_26 = arith.cmpi eq, %add3A_25, %eq3A : i32
    %jit3A = arith.constant 8 : i32
    %jit3A_27 = arith.constant 0 : i32
    %select_n3A = arith.select %eq3A_26, %jit3A, %jit3A_27 : i32
    %eq3A_28 = arith.constant 2 : i32
    %eq3A_29 = arith.cmpi eq, %add3A_25, %eq3A_28 : i32
    %jit3A_30 = arith.constant 15 : i32
    %select_n3A_31 = arith.select %eq3A_29, %jit3A_30, %select_n3A : i32
    %eq3A_32 = arith.constant 3 : i32
    %eq3A_33 = arith.cmpi eq, %add3A_25, %eq3A_32 : i32
    %jit3A_34 = arith.constant 21 : i32
    %select_n3A_35 = arith.select %eq3A_33, %jit3A_34, %select_n3A_31 : i32
    %eq3A_36 = arith.constant 4 : i32
    %eq3A_37 = arith.cmpi eq, %add3A_25, %eq3A_36 : i32
    %jit3A_38 = arith.constant 26 : i32
    %select_n3A_39 = arith.select %eq3A_37, %jit3A_38, %select_n3A_35 : i32
    %eq3A_40 = arith.constant 5 : i32
    %eq3A_41 = arith.cmpi eq, %add3A_25, %eq3A_40 : i32
    %jit3A_42 = arith.constant 30 : i32
    %select_n3A_43 = arith.select %eq3A_41, %jit3A_42, %select_n3A_39 : i32
    %eq3A_44 = arith.constant 6 : i32
    %eq3A_45 = arith.cmpi eq, %add3A_25, %eq3A_44 : i32
    %jit3A_46 = arith.constant 33 : i32
    %select_n3A_47 = arith.select %eq3A_45, %jit3A_46, %select_n3A_43 : i32
    %eq3A_48 = arith.constant 7 : i32
    %eq3A_49 = arith.cmpi eq, %add3A_25, %eq3A_48 : i32
    %jit3A_50 = arith.constant 35 : i32
    %select_n3A_51 = arith.select %eq3A_49, %jit3A_50, %select_n3A_47 : i32
    %sub3A = arith.subi %arg1, %select_n3A_51 : i32
    %add3A_52 = arith.addi %sub3A, %add3A_25 : i32
    %get3A = arith.constant 0 : index
    %get3A_53 = arith.constant 0 : index
    %get3A_54 = arith.constant 0 : index
    %get3A_55 = vector.load %arg2[%get3A, %get3A_53, %get3A_54] : memref<1x1x1024xf32, #tpu.memory_space<vmem>>, vector<1x1x1024xf32>
    %get3A_56 = vector.shape_cast %get3A_55 : vector<1x1x1024xf32> to vector<1x1024xf32>
    %get3A_57 = arith.constant 0 : index
    %get3A_58 = arith.constant 0 : index
    %get3A_59 = arith.constant 0 : index
    %get3A_60 = vector.load %arg3[%get3A_57, %get3A_58, %get3A_59] : memref<1x1x1024xf32, #tpu.memory_space<vmem>>, vector<1x1x1024xf32>
    %get3A_61 = vector.shape_cast %get3A_60 : vector<1x1x1024xf32> to vector<1x1024xf32>
    %transpose3A = tpu.transpose %get3A_61, [1, 0] : vector<1x1024xf32> -> vector<1024x1xf32>
    %eq3A_62 = arith.constant 0 : i32
    %eq3A_63 = arith.cmpi eq, %arg1, %eq3A_62 : i32
    %convert_element_type3A_64 = arith.extui %eq3A_63 : i1 to i32
    %cond3A = arith.constant 0 : i32
    %cond3A_65 = arith.cmpi ne, %convert_element_type3A_64, %cond3A : i32
    scf.if %cond3A_65 {
      %broadcast_in_dim3A = arith.constant 0.000000e+00 : f32
      %broadcast_in_dim3A_78 = vector.broadcast %broadcast_in_dim3A : f32 to vector<8x1024xf32>
      %swap3A = arith.constant 0 : index
      %swap3A_79 = arith.constant 0 : index
      %swap3A_80 = vector.load %arg5[%swap3A, %swap3A_79] : memref<8x1024xf32, #tpu.memory_space<vmem>>, vector<8x1024xf32>
      tpu.vector_store %arg5[%swap3A, %swap3A_79], %broadcast_in_dim3A_78 {strides = array<i32>} : memref<8x1024xf32, #tpu.memory_space<vmem>>, vector<8x1024xf32>,
    } else {
    }
    %lt3A = arith.cmpi slt, %add3A_25, %add3A_52 : i32
    %convert_element_type3A_66 = arith.extui %lt3A : i1 to i32
    %cond3A_67 = arith.constant 0 : i32
    %cond3A_68 = arith.cmpi ne, %convert_element_type3A_66, %cond3A_67 : i32
    scf.if %cond3A_68 {
      %lt3A_78 = vector.broadcast %transpose3A : vector<1024x1xf32> to vector<1024x1024xf32>
      %lt3A_79 = vector.broadcast %get3A_56 : vector<1x1024xf32> to vector<1024x1024xf32>
      %lt3A_80 = arith.cmpf olt, %lt3A_78, %lt3A_79 : vector<1024x1024xf32>
      %convert_element_type3A_81 = arith.extui %lt3A_80 : vector<1024x1024xi1> to vector<1024x1024xi32>
      %convert_element_type3A_82 = arith.sitofp %convert_element_type3A_81 : vector<1024x1024xi32> to vector<1024x1024xf32>
      %reduce_sum3A = arith.constant dense<0.000000e+00> : vector<1024xf32>
      %reduce_sum3A_83 = vector.multi_reduction <add>, %convert_element_type3A_82, %reduce_sum3A [0] : vector<1024x1024xf32> to vector<1024xf32>
      %broadcast_in_dim3A = vector.shape_cast %reduce_sum3A_83 : vector<1024xf32> to vector<1x1024xf32>
      %get3A_84 = arith.index_cast %add3A_25 : i32 to index
      %get3A_85 = arith.constant 0 : index
      %get3A_86 = vector.load %arg5[%get3A_84, %get3A_85] : memref<8x1024xf32, #tpu.memory_space<vmem>>, vector<1x1024xf32>
      %add3A_87 = arith.addf %get3A_86, %broadcast_in_dim3A : vector<1x1024xf32>
      %swap3A = arith.index_cast %add3A_25 : i32 to index
      %swap3A_88 = arith.constant 0 : index
      %swap3A_89 = vector.load %arg5[%swap3A, %swap3A_88] : memref<8x1024xf32, #tpu.memory_space<vmem>>, vector<1x1024xf32>
      tpu.vector_store %arg5[%swap3A, %swap3A_88], %add3A_87 {strides = array<i32>} : memref<8x1024xf32, #tpu.memory_space<vmem>>, vector<1x1024xf32>,
      %slice3A = vector.extract_strided_slice %convert_element_type3A_82 {offsets = [0, 0], sizes = [1024, 128], strides = [1, 1]} : vector<1024x1024xf32> to vector<1024x128xf32>
      %slice3A_90 = vector.extract_strided_slice %convert_element_type3A_82 {offsets = [0, 128], sizes = [1024, 128], strides = [1, 1]} : vector<1024x1024xf32> to vector<1024x128xf32>
      %add3A_91 = arith.addf %slice3A, %slice3A_90 : vector<1024x128xf32>
      %slice3A_92 = vector.extract_strided_slice %convert_element_type3A_82 {offsets = [0, 256], sizes = [1024, 128], strides = [1, 1]} : vector<1024x1024xf32> to vector<1024x128xf32>
      %add3A_93 = arith.addf %add3A_91, %slice3A_92 : vector<1024x128xf32>
      %slice3A_94 = vector.extract_strided_slice %convert_element_type3A_82 {offsets = [0, 384], sizes = [1024, 128], strides = [1, 1]} : vector<1024x1024xf32> to vector<1024x128xf32>
      %add3A_95 = arith.addf %add3A_93, %slice3A_94 : vector<1024x128xf32>
      %slice3A_96 = vector.extract_strided_slice %convert_element_type3A_82 {offsets = [0, 512], sizes = [1024, 128], strides = [1, 1]} : vector<1024x1024xf32> to vector<1024x128xf32>
      %add3A_97 = arith.addf %add3A_95, %slice3A_96 : vector<1024x128xf32>
      %slice3A_98 = vector.extract_strided_slice %convert_element_type3A_82 {offsets = [0, 640], sizes = [1024, 128], strides = [1, 1]} : vector<1024x1024xf32> to vector<1024x128xf32>
      %add3A_99 = arith.addf %add3A_97, %slice3A_98 : vector<1024x128xf32>
      %slice3A_100 = vector.extract_strided_slice %convert_element_type3A_82 {offsets = [0, 768], sizes = [1024, 128], strides = [1, 1]} : vector<1024x1024xf32> to vector<1024x128xf32>
      %add3A_101 = arith.addf %add3A_99, %slice3A_100 : vector<1024x128xf32>
      %slice3A_102 = vector.extract_strided_slice %convert_element_type3A_82 {offsets = [0, 896], sizes = [1024, 128], strides = [1, 1]} : vector<1024x1024xf32> to vector<1024x128xf32>
      %add3A_103 = arith.addf %add3A_101, %slice3A_102 : vector<1024x128xf32>
      %transpose3A_104 = tpu.transpose %add3A_103, [1, 0] : vector<1024x128xf32> -> vector<128x1024xf32>
      %reduce_sum3A_105 = arith.constant dense<0.000000e+00> : vector<1024xf32>
      %reduce_sum3A_106 = vector.multi_reduction <add>, %transpose3A_104, %reduce_sum3A_105 [0] : vector<128x1024xf32> to vector<1024xf32>
      %broadcast_in_dim3A_107 = vector.shape_cast %reduce_sum3A_106 : vector<1024xf32> to vector<1x1024xf32>
      %sub3A_108 = arith.constant 1.024000e+03 : f32
      %sub3A_109 = vector.broadcast %sub3A_108 : f32 to vector<1x1024xf32>
      %sub3A_110 = arith.subf %sub3A_109, %broadcast_in_dim3A_107 : vector<1x1024xf32>
      %get3A_111 = arith.index_cast %add3A_52 : i32 to index
      %get3A_112 = arith.constant 0 : index
      %get3A_113 = vector.load %arg5[%get3A_111, %get3A_112] : memref<8x1024xf32, #tpu.memory_space<vmem>>, vector<1x1024xf32>
      %add3A_114 = arith.addf %get3A_113, %sub3A_110 : vector<1x1024xf32>
      %swap3A_115 = arith.index_cast %add3A_52 : i32 to index
      %swap3A_116 = arith.constant 0 : index
      %swap3A_117 = vector.load %arg5[%swap3A_115, %swap3A_116] : memref<8x1024xf32, #tpu.memory_space<vmem>>, vector<1x1024xf32>
      tpu.vector_store %arg5[%swap3A_115, %swap3A_116], %add3A_114 {strides = array<i32>} : memref<8x1024xf32, #tpu.memory_space<vmem>>, vector<1x1024xf32>,
    } else {
    }
    %eq3A_69 = arith.cmpi eq, %add3A_25, %add3A_52 : i32
    %convert_element_type3A_70 = arith.extui %eq3A_69 : i1 to i32
    %cond3A_71 = arith.constant 0 : i32
    %cond3A_72 = arith.cmpi ne, %convert_element_type3A_70, %cond3A_71 : i32
    scf.if %cond3A_72 {
      %lt3A_78 = vector.broadcast %transpose3A : vector<1024x1xf32> to vector<1024x1024xf32>
      %lt3A_79 = vector.broadcast %get3A_56 : vector<1x1024xf32> to vector<1024x1024xf32>
      %lt3A_80 = arith.cmpf olt, %lt3A_78, %lt3A_79 : vector<1024x1024xf32>
      %convert_element_type3A_81 = arith.extui %lt3A_80 : vector<1024x1024xi1> to vector<1024x1024xi32>
      %convert_element_type3A_82 = arith.sitofp %convert_element_type3A_81 : vector<1024x1024xi32> to vector<1024x1024xf32>
      %eq3A_83 = vector.broadcast %transpose3A : vector<1024x1xf32> to vector<1024x1024xf32>
      %eq3A_84 = vector.broadcast %get3A_56 : vector<1x1024xf32> to vector<1024x1024xf32>
      %eq3A_85 = arith.cmpf oeq, %eq3A_83, %eq3A_84 : vector<1024x1024xf32>
      %iota3A = tpu.iota {dimensions = array<i32: 1>} : vector<1024x1024xi32>
      %iota3A_86 = tpu.iota {dimensions = array<i32: 0>} : vector<1024x1024xi32>
      %lt3A_87 = arith.cmpi slt, %iota3A_86, %iota3A : vector<1024x1024xi32>
      %and3A = arith.andi %eq3A_85, %lt3A_87 : vector<1024x1024xi1>
      %jit3A_88 = arith.constant 1.000000e+00 : f32
      %jit3A_89 = arith.constant 0.000000e+00 : f32
      %broadcast_in_dim3A = vector.broadcast %jit3A_88 : f32 to vector<1024x1024xf32>
      %broadcast_in_dim3A_90 = vector.broadcast %jit3A_89 : f32 to vector<1024x1024xf32>
      %select_n3A_91 = arith.select %and3A, %broadcast_in_dim3A, %broadcast_in_dim3A_90 : vector<1024x1024xi1>, vector<1024x1024xf32>
      %get3A_92 = arith.index_cast %add3A_25 : i32 to index
      %get3A_93 = arith.constant 0 : index
      %get3A_94 = vector.load %arg5[%get3A_92, %get3A_93] : memref<8x1024xf32, #tpu.memory_space<vmem>>, vector<1x1024xf32>
      %add3A_95 = arith.addf %convert_element_type3A_82, %select_n3A_91 : vector<1024x1024xf32>
      %reduce_sum3A = arith.constant dense<0.000000e+00> : vector<1024xf32>
      %reduce_sum3A_96 = vector.multi_reduction <add>, %add3A_95, %reduce_sum3A [0] : vector<1024x1024xf32> to vector<1024xf32>
      %broadcast_in_dim3A_97 = vector.shape_cast %reduce_sum3A_96 : vector<1024xf32> to vector<1x1024xf32>
      %add3A_98 = arith.addf %get3A_94, %broadcast_in_dim3A_97 : vector<1x1024xf32>
      %swap3A = arith.index_cast %add3A_25 : i32 to index
      %swap3A_99 = arith.constant 0 : index
      %swap3A_100 = vector.load %arg5[%swap3A, %swap3A_99] : memref<8x1024xf32, #tpu.memory_space<vmem>>, vector<1x1024xf32>
      tpu.vector_store %arg5[%swap3A, %swap3A_99], %add3A_98 {strides = array<i32>} : memref<8x1024xf32, #tpu.memory_space<vmem>>, vector<1x1024xf32>,
    } else {
    }
    %eq3A_73 = arith.constant 35 : i32
    %eq3A_74 = arith.cmpi eq, %arg1, %eq3A_73 : i32
    %convert_element_type3A_75 = arith.extui %eq3A_74 : i1 to i32
    %cond3A_76 = arith.constant 0 : i32
    %cond3A_77 = arith.cmpi ne, %convert_element_type3A_75, %cond3A_76 : i32
    scf.if %cond3A_77 {
      %get3A_78 = arith.constant 0 : index
      %get3A_79 = arith.constant 0 : index
      %get3A_80 = vector.load %arg5[%get3A_78, %get3A_79] : memref<8x1024xf32, #tpu.memory_space<vmem>>, vector<8x1024xf32>
      %convert_element_type3A_81 = arith.fptosi %get3A_80 : vector<8x1024xf32> to vector<8x1024xi32>
      %mul3A = arith.constant 8192 : i32
      %mul3A_82 = arith.muli %arg0, %mul3A : i32
      %add3A_83 = vector.broadcast %mul3A_82 : i32 to vector<8x1024xi32>
      %add3A_84 = arith.addi %convert_element_type3A_81, %add3A_83 : vector<8x1024xi32>
      %swap3A = arith.constant 0 : index
      %swap3A_85 = arith.constant 0 : index
      %swap3A_86 = arith.constant 0 : index
      %swap3A_87 = vector.load %arg4[%swap3A, %swap3A_85, %swap3A_86] : memref<1x8x1024xi32, #tpu.memory_space<vmem>>, vector<1x8x1024xi32>
      %swap3A_88 = vector.shape_cast %swap3A_87 : vector<1x8x1024xi32> to vector<8x1024xi32>
      %swap3A_89 = vector.shape_cast %add3A_84 : vector<8x1024xi32> to vector<1x8x1024xi32>
      tpu.vector_store %arg4[%swap3A, %swap3A_85, %swap3A_86], %swap3A_89 {strides = array<i32>} : memref<1x8x1024xi32, #tpu.memory_space<vmem>>, vector<1x8x1024xi32>,
    } else {
    }
    return
  }
  func.func @transform_0(%arg0: i32, %arg1: i32) -> (i32, i32, i32) {
    %ge3A = arith.constant 8 : i32
    %ge3A_0 = arith.cmpi sge, %arg1, %ge3A : i32
    %convert_element_type3A = arith.extui %ge3A_0 : i1 to i32
    %add3A = arith.constant 0 : i32
    %add3A_1 = arith.addi %add3A, %convert_element_type3A : i32
    %ge3A_2 = arith.constant 15 : i32
    %ge3A_3 = arith.cmpi sge, %arg1, %ge3A_2 : i32
    %convert_element_type3A_4 = arith.extui %ge3A_3 : i1 to i32
    %add3A_5 = arith.addi %add3A_1, %convert_element_type3A_4 : i32
    %ge3A_6 = arith.constant 21 : i32
    %ge3A_7 = arith.cmpi sge, %arg1, %ge3A_6 : i32
    %convert_element_type3A_8 = arith.extui %ge3A_7 : i1 to i32
    %add3A_9 = arith.addi %add3A_5, %convert_element_type3A_8 : i32
    %ge3A_10 = arith.constant 26 : i32
    %ge3A_11 = arith.cmpi sge, %arg1, %ge3A_10 : i32
    %convert_element_type3A_12 = arith.extui %ge3A_11 : i1 to i32
    %add3A_13 = arith.addi %add3A_9, %convert_element_type3A_12 : i32
    %ge3A_14 = arith.constant 30 : i32
    %ge3A_15 = arith.cmpi sge, %arg1, %ge3A_14 : i32
    %convert_element_type3A_16 = arith.extui %ge3A_15 : i1 to i32
    %add3A_17 = arith.addi %add3A_13, %convert_element_type3A_16 : i32
    %ge3A_18 = arith.constant 33 : i32
    %ge3A_19 = arith.cmpi sge, %arg1, %ge3A_18 : i32
    %convert_element_type3A_20 = arith.extui %ge3A_19 : i1 to i32
    %add3A_21 = arith.addi %add3A_17, %convert_element_type3A_20 : i32
    %ge3A_22 = arith.constant 35 : i32
    %ge3A_23 = arith.cmpi sge, %arg1, %ge3A_22 : i32
    %convert_element_type3A_24 = arith.extui %ge3A_23 : i1 to i32
    %add3A_25 = arith.addi %add3A_21, %convert_element_type3A_24 : i32
    %eq3A = arith.constant 1 : i32
    %eq3A_26 = arith.cmpi eq, %add3A_25, %eq3A : i32
    %jit3A = arith.constant 8 : i32
    %jit3A_27 = arith.constant 0 : i32
    %select_n3A = arith.select %eq3A_26, %jit3A, %jit3A_27 : i32
    %eq3A_28 = arith.constant 2 : i32
    %eq3A_29 = arith.cmpi eq, %add3A_25, %eq3A_28 : i32
    %jit3A_30 = arith.constant 15 : i32
    %select_n3A_31 = arith.select %eq3A_29, %jit3A_30, %select_n3A : i32
    %eq3A_32 = arith.constant 3 : i32
    %eq3A_33 = arith.cmpi eq, %add3A_25, %eq3A_32 : i32
    %jit3A_34 = arith.constant 21 : i32
    %select_n3A_35 = arith.select %eq3A_33, %jit3A_34, %select_n3A_31 : i32
    %eq3A_36 = arith.constant 4 : i32
    %eq3A_37 = arith.cmpi eq, %add3A_25, %eq3A_36 : i32
    %jit3A_38 = arith.constant 26 : i32
    %select_n3A_39 = arith.select %eq3A_37, %jit3A_38, %select_n3A_35 : i32
    %eq3A_40 = arith.constant 5 : i32
    %eq3A_41 = arith.cmpi eq, %add3A_25, %eq3A_40 : i32
    %jit3A_42 = arith.constant 30 : i32
    %select_n3A_43 = arith.select %eq3A_41, %jit3A_42, %select_n3A_39 : i32
    %eq3A_44 = arith.constant 6 : i32
    %eq3A_45 = arith.cmpi eq, %add3A_25, %eq3A_44 : i32
    %jit3A_46 = arith.constant 33 : i32
    %select_n3A_47 = arith.select %eq3A_45, %jit3A_46, %select_n3A_43 : i32
    %eq3A_48 = arith.constant 7 : i32
    %eq3A_49 = arith.cmpi eq, %add3A_25, %eq3A_48 : i32
    %jit3A_50 = arith.constant 35 : i32
    %select_n3A_51 = arith.select %eq3A_49, %jit3A_50, %select_n3A_47 : i32
    %sub3A = arith.subi %arg1, %select_n3A_51 : i32
    %add3A_52 = arith.addi %sub3A, %add3A_25 : i32
    %mul3A = arith.constant 8 : i32
    %mul3A_53 = arith.muli %arg0, %mul3A : i32
    %add3A_54 = arith.addi %mul3A_53, %add3A_25 : i32
    %c0_i32 = arith.constant 0 : i32
    %c0_i32_55 = arith.constant 0 : i32
    %c0_i32_56 = arith.constant 0 : i32
    return %add3A_54, %c0_i32, %c0_i32_55 : i32, i32, i32
  }
  func.func @transform_1(%arg0: i32, %arg1: i32) -> (i32, i32, i32) {
    %ge3A = arith.constant 8 : i32
    %ge3A_0 = arith.cmpi sge, %arg1, %ge3A : i32
    %convert_element_type3A = arith.extui %ge3A_0 : i1 to i32
    %add3A = arith.constant 0 : i32
    %add3A_1 = arith.addi %add3A, %convert_element_type3A : i32
    %ge3A_2 = arith.constant 15 : i32
    %ge3A_3 = arith.cmpi sge, %arg1, %ge3A_2 : i32
    %convert_element_type3A_4 = arith.extui %ge3A_3 : i1 to i32
    %add3A_5 = arith.addi %add3A_1, %convert_element_type3A_4 : i32
    %ge3A_6 = arith.constant 21 : i32
    %ge3A_7 = arith.cmpi sge, %arg1, %ge3A_6 : i32
    %convert_element_type3A_8 = arith.extui %ge3A_7 : i1 to i32
    %add3A_9 = arith.addi %add3A_5, %convert_element_type3A_8 : i32
    %ge3A_10 = arith.constant 26 : i32
    %ge3A_11 = arith.cmpi sge, %arg1, %ge3A_10 : i32
    %convert_element_type3A_12 = arith.extui %ge3A_11 : i1 to i32
    %add3A_13 = arith.addi %add3A_9, %convert_element_type3A_12 : i32
    %ge3A_14 = arith.constant 30 : i32
    %ge3A_15 = arith.cmpi sge, %arg1, %ge3A_14 : i32
    %convert_element_type3A_16 = arith.extui %ge3A_15 : i1 to i32
    %add3A_17 = arith.addi %add3A_13, %convert_element_type3A_16 : i32
    %ge3A_18 = arith.constant 33 : i32
    %ge3A_19 = arith.cmpi sge, %arg1, %ge3A_18 : i32
    %convert_element_type3A_20 = arith.extui %ge3A_19 : i1 to i32
    %add3A_21 = arith.addi %add3A_17, %convert_element_type3A_20 : i32
    %ge3A_22 = arith.constant 35 : i32
    %ge3A_23 = arith.cmpi sge, %arg1, %ge3A_22 : i32
    %convert_element_type3A_24 = arith.extui %ge3A_23 : i1 to i32
    %add3A_25 = arith.addi %add3A_21, %convert_element_type3A_24 : i32
    %eq3A = arith.constant 1 : i32
    %eq3A_26 = arith.cmpi eq, %add3A_25, %eq3A : i32
    %jit3A = arith.constant 8 : i32
    %jit3A_27 = arith.constant 0 : i32
    %select_n3A = arith.select %eq3A_26, %jit3A, %jit3A_27 : i32
    %eq3A_28 = arith.constant 2 : i32
    %eq3A_29 = arith.cmpi eq, %add3A_25, %eq3A_28 : i32
    %jit3A_30 = arith.constant 15 : i32
    %select_n3A_31 = arith.select %eq3A_29, %jit3A_30, %select_n3A : i32
    %eq3A_32 = arith.constant 3 : i32
    %eq3A_33 = arith.cmpi eq, %add3A_25, %eq3A_32 : i32
    %jit3A_34 = arith.constant 21 : i32
    %select_n3A_35 = arith.select %eq3A_33, %jit3A_34, %select_n3A_31 : i32
    %eq3A_36 = arith.constant 4 : i32
    %eq3A_37 = arith.cmpi eq, %add3A_25, %eq3A_36 : i32
    %jit3A_38 = arith.constant 26 : i32
    %select_n3A_39 = arith.select %eq3A_37, %jit3A_38, %select_n3A_35 : i32
    %eq3A_40 = arith.constant 5 : i32
    %eq3A_41 = arith.cmpi eq, %add3A_25, %eq3A_40 : i32
    %jit3A_42 = arith.constant 30 : i32
    %select_n3A_43 = arith.select %eq3A_41, %jit3A_42, %select_n3A_39 : i32
    %eq3A_44 = arith.constant 6 : i32
    %eq3A_45 = arith.cmpi eq, %add3A_25, %eq3A_44 : i32
    %jit3A_46 = arith.constant 33 : i32
    %select_n3A_47 = arith.select %eq3A_45, %jit3A_46, %select_n3A_43 : i32
    %eq3A_48 = arith.constant 7 : i32
    %eq3A_49 = arith.cmpi eq, %add3A_25, %eq3A_48 : i32
    %jit3A_50 = arith.constant 35 : i32
    %select_n3A_51 = arith.select %eq3A_49, %jit3A_50, %select_n3A_47 : i32
    %sub3A = arith.subi %arg1, %select_n3A_51 : i32
    %add3A_52 = arith.addi %sub3A, %add3A_25 : i32
    %mul3A = arith.constant 8 : i32
    %mul3A_53 = arith.muli %arg0, %mul3A : i32
    %add3A_54 = arith.addi %mul3A_53, %add3A_52 : i32
    %c0_i32 = arith.constant 0 : i32
    %c0_i32_55 = arith.constant 0 : i32
    %c0_i32_56 = arith.constant 0 : i32
    return %add3A_54, %c0_i32, %c0_i32_55 : i32, i32, i32
  }
  func.func @transform_2(%arg0: i32, %arg1: i32) -> (i32, i32, i32) {
    %c0_i32 = arith.constant 0 : i32
    %c0_i32_0 = arith.constant 0 : i32
    %c0_i32_1 = arith.constant 0 : i32
    return %arg0, %c0_i32, %c0_i32_0 : i32, i32, i32
  }
}

</mosaic_0001>

<sc_bundles>
// kernel: kernel.5.cloned.1.call-start
scs
__scs_entry_jumppad:
0x0: {  	(pc) =	sbr.rel $0x88, $3  }
0x1: {  	(tag) =	ssettag $0x0;
	lr =	simm.s32 $0x1  }
0x2: {  	[smem:$0x3FA0] =	sst lr;
	_ =	strace $0xD0000000  }
0x3: {  	_ = 	snop  }
0x4: {  	_ = 	snop  }
0x5: {  	_ = 	snop  }
0x6: {  	_ = 	snop  }
0x7: {  	_ = 	snop  }
__scs_overlays_trampoline_lowered:
0x8: {  	[smem:$0x3FAF] =	sst s0  }
0x9: {  	[smem:$0x3FB0] =	sst s1  }
0xa: {  	[smem:$0x3FB1] =	sst s2  }
0xb: {  	[smem:$0x3FB2] =	sst s3  }
0xc: {  	[smem:$0x3FB3] =	sst s4  }
0xd: {  	[smem:$0x3FB4] =	sst s5  }
0xe: {  	[smem:$0x3FB5] =	sst s6  }
0xf: {  	[smem:$0x3FB6] =	sst s7  }
0x10: {  	[smem:$0x3FB7] =	sst s8  }
0x11: {  	[smem:$0x3FB8] =	sst s9;
	s0 =	simm.s32 @!p0 $0x0  }
0x12: {  	s1 =	sld [smem:$0x3F9E];
	s0 =	simm.s32 @p0 $0x1  }
0x13: {  	[smem:$0x3FB9] =	sst s0;
	s0 =	simm.s32 @!p1 $0x0  }
0x14: {  	s2 =	sld [smem:$0x3F9D];
	s0 =	simm.s32 @p1 $0x1  }
0x15: {  	[smem:$0x3FBA] =	sst s0;
	s0 =	simm.s32 @!p2 $0x0  }
0x16: {  	s3 =	sld [smem:$0x3FDB];
	s0 =	simm.s32 @p2 $0x1  }
0x17: {  	s4 =	simm.s32 $0x1BF5;
	[smem:$0x3FBC] =	sst s0  }
0x18: {  	s0 =	sld [smem:$0x3F9F];
	_ =	swait.ge [sflag:s4], $0x0  }
0x19: {  	s7 =	sld [smem:$0x3FA0]  }
0x1a: {  	s8 =	sadd.s32 $0xFFFFE003, lr  }
0x1b: {  	s9 =	sadd.s32 $0xFFFFFEF7, lr;
	s5 =	simm.s32 $0xFFFFFFFF;
	p2 =	slt.u32 s8, $0xFFFFF086  }
0x1c: {  	p1 =	slt.u32 s9, $0xF7A;
	s5 =	simm.s32 @!p2 $0x0  }
0x1d: {  	s5 =	simm.s32 @p1 $0x1;
	p0 =	seq.s32 s7, s2  }
0x1e: {  	s7 =	smul.u32 @!p0 $0xF7A, s2;
	p2 =	seq.s32 @!p0 s5, $0x0  }
0x1f: {  	s9 =	smul.u32 $0xF7A, s1;
	s8 =	simm.s32 @!p0 $0x1BF5;
	p2 =	por !p2, p0  }
0x20: {  	[sflag:s8] =	ssyncset.s32 @!p0 $0xFFFFF086;
	s6 =	sadd.s32 @!p0 s3, s7;
	s7 =	simm.s32 @!p0 $0x108  }
0x21: {  	s3 =	sadd.s32 s3, s9;
	s6 =	sadd.s32 @!p0 $0x88, s6;
	s7 =	simm.s32 @p2 $0x1082  }
0x22: {  	[simem:s7], [sflag:s8] =	dma.local @!p0 [hbm:s6], $0xF7A  }
0x23: {  	s9 =	sor.u32 $0xD0000000, s2;
	s6 =	simm.s32 $0x108;
	_ =	swait.ge @!p0 [sflag:s8], $0x0  }
0x24: {  	s3 =	sadd.s32 $0x88, s3;
	s6 =	simm.s32 @!p1 $0x1082;
	[sflag:s4] =	ssyncset.s32 $0xFFFFF086  }
0x25: {  	[simem:s6], [sflag:s4] =	dma.local [hbm:s3], $0xF7A  }
0x26: {  	[smem:$0x3FA0] =	sst s1;
	(tag) =	ssettag s2;
	_ =	strace s9  }
0x27: {  	s1 =	sld [smem:$0x3FB0]  }
0x28: {  	s2 =	sld [smem:$0x3FB1]  }
0x29: {  	s4 =	sld [smem:$0x3FB3]  }
0x2a: {  	p0 =	seq.s32 s5, $0x0;
	s5 =	sld [smem:$0x3FB4]  }
0x2b: {  	s6 =	sld [smem:$0x3FB5]  }
0x2c: {  	s7 =	sld [smem:$0x3FB6]  }
0x2d: {  	s3 =	simm.s32 $0x108;
	s8 =	sld [smem:$0x3FB7]  }
0x2e: {  	s3 =	simm.s32 @!p0 $0x1082;
	s9 =	sld [smem:$0x3FB8]  }
0x2f: {  	lr =	sadd.s32 s0, s3;
	s0 =	sld [smem:$0x3FAF]  }
0x30: {  	s3 =	sld [smem:$0x3FB2]  }
0x31: {  	[smem:$0x3FBB] =	sst s10  }
0x32: {  	s10 =	sld [smem:$0x3FB9];
	_ =	sdelay $0x3  }
0x33: {  	p0 =	seq.s32 s10, $0x1;
	s10 =	sld [smem:$0x3FBB];
	_ =	sdelay $0x3  }
0x34: {  	[smem:$0x3FBB] =	sst s10  }
0x35: {  	s10 =	sld [smem:$0x3FBA];
	_ =	sdelay $0x3  }
0x36: {  	p1 =	seq.s32 s10, $0x1;
	s10 =	sld [smem:$0x3FBB];
	_ =	sdelay $0x3  }
0x37: {  	[smem:$0x3FBB] =	sst s10  }
0x38: {  	s10 =	sld [smem:$0x3FBC]  }
0x39: {  	_ = 	snop;
	(pc) =	sbr.ind lr, $3  }
0x3a: {  	_ = 	snop  }
0x3b: {  	_ = 	snop  }
0x3c: {  	p2 =	seq.s32 s10, $0x1;
	s10 =	sld [smem:$0x3FBB]  }
0x3d: {  	_ =	shalt  }
0x3e: {  	_ =	shalt  }
0x3f: {  	_ =	shalt  }
0x40: {  	_ =	shalt  }
0x41: {  	_ =	shalt  }
0x42: {  	_ =	shalt  }
0x43: {  	_ =	shalt  }
0x44: {  	_ =	shalt  }
0x45: {  	_ =	shalt  }
0x46: {  	_ =	shalt  }
0x47: {  	_ =	shalt  }
0x48: {  	_ =	shalt  }
0x49: {  	_ =	shalt  }
0x4a: {  	_ =	shalt  }
0x4b: {  	_ =	shalt  }
0x4c: {  	_ =	shalt  }
0x4d: {  	_ =	shalt  }
0x4e: {  	_ =	shalt  }
0x4f: {  	_ =	shalt  }
0x50: {  	_ =	shalt  }
0x51: {  	_ =	shalt  }
0x52: {  	_ =	shalt  }
0x53: {  	_ =	shalt  }
0x54: {  	_ =	shalt  }
0x55: {  	_ =	shalt  }
0x56: {  	_ =	shalt  }
0x57: {  	_ =	shalt  }
0x58: {  	_ =	shalt  }
0x59: {  	_ =	shalt  }
0x5a: {  	_ =	shalt  }
0x5b: {  	_ =	shalt  }
0x5c: {  	_ =	shalt  }
0x5d: {  	_ =	shalt  }
0x5e: {  	_ =	shalt  }
0x5f: {  	_ =	shalt  }
0x60: {  	_ =	shalt  }
0x61: {  	_ =	shalt  }
0x62: {  	_ =	shalt  }
0x63: {  	_ =	shalt  }
0x64: {  	_ =	shalt  }
0x65: {  	_ =	shalt  }
0x66: {  	_ =	shalt  }
0x67: {  	_ =	shalt  }
0x68: {  	_ =	shalt  }
0x69: {  	_ =	shalt  }
0x6a: {  	_ =	shalt  }
0x6b: {  	_ =	shalt  }
0x6c: {  	_ =	shalt  }
0x6d: {  	_ =	shalt  }
0x6e: {  	_ =	shalt  }
0x6f: {  	_ =	shalt  }
0x70: {  	_ =	shalt  }
0x71: {  	_ =	shalt  }
0x72: {  	_ =	shalt  }
0x73: {  	_ =	shalt  }
0x74: {  	_ =	shalt  }
0x75: {  	_ =	shalt  }
0x76: {  	_ =	shalt  }
0x77: {  	_ =	shalt  }
0x78: {  	_ =	shalt  }
0x79: {  	_ =	shalt  }
0x7a: {  	_ =	shalt  }
0x7b: {  	_ =	shalt  }
0x7c: {  	_ =	shalt  }
0x7d: {  	_ =	shalt  }
0x7e: {  	_ =	shalt  }
0x7f: {  	_ =	shalt  }
0x80: {  	_ =	shalt  }
0x81: {  	_ =	shalt  }
0x82: {  	_ =	shalt  }
0x83: {  	_ =	shalt  }
0x84: {  	_ =	shalt  }
0x85: {  	_ =	shalt  }
0x86: {  	_ =	shalt  }
0x87: {  	_ =	shalt  }
.Lfunc_end0:
.L_simem_size_0:
called_computation_lowered:
.L_overlay_start_0:
0x88: {  	s2 =	sld [smem:$0x3FD9]  }
0x89: {  	s3 =	sld [smem:$0x3FFE];
	_ =	sdelay $0x1  }
0x8a: {  	s1 =	srdreg.scid  }
0x8b: {  	s0 =	sand.u32 $0x1, s1  }
0x8c: {  	s17 =	sshll.u32 s0, $0xA;
	s2 =	sadd.s32 s3, s2  }
0x8d: {  	s2 =	sadd.s32 s2, s17  }
0x8e: {  	[smem:$0x3FC7] =	sst s2  }
0x8f: {  	_ = 	snop  }
0x90: {  	s2 =	sld [smem:$0x3FC9]  }
0x91: {  	s18 =	sld [smem:$0x3FD0];
	(tm) =	ssettm $0x1  }
0x92: {  	s4 =	sld [smem:$0x3FFB];
	_ =	sdelay $0x3  }
0x93: {  	_ =	strace s4  }
0x94: {  	s4 =	sld [smem:$0x3FFC];
	_ =	sdelay $0x3  }
0x95: {  	_ =	strace s4  }
0x96: {  	s4 =	sld [smem:$0x3FFD];
	_ =	sdelay $0x3  }
0x97: {  	_ =	strace s4  }
0x98: {  	_ =	strace $0x8FFFFFFF  }
0x99: {  	s19 =	sld [smem:$0x3FDB];
	_ =	sdelay $0x1  }
0x9a: {  	s5 =	simm.s32 $_scs_section_size  }
0x9b: {  	s6 =	simm.s32 $_size__tile_overlayer_lowered;
	s7 =	simm.s32 $_tile_overlayer_lowered  }
0x9c: {  	s22 =	simm.s32 $0x1BFF;
	s21 =	sshll.u32 s7, $0x1;
	s4 =	sadd.s32 s5, s19  }
0x9d: {  	s8 =	simm.s32 $0x0;
	s20 =	sshll.u32 s6, $0x1;
	s6 =	sadd.s32 s21, s4  }
0x9e: {  	[timem:s8], [sflag:s22] =	dma.local [hbm:s6], s20  }
0x9f: {  	_ =	swait.ge [sflag:s22], s20  }
0xa0: {  	s5 =	ssub.s32 $0x0, s20;
	[sflag:s22] =	ssyncset.done $0x0  }
0xa1: {  	[sflag:s22] =	ssyncadd.s32 s5;
	_ =	sdelay $0x1  }
0xa2: {  	s23 =	simm.s32 $0x1B8B  }
0xa3: {  	_ =	swait.ge [sflag:s23], $0x1  }
0xa4: {  	[sflag:s23] =	ssyncset.done $0x0  }
0xa5: {  	s25 =	simm.s32 $0x1B8E;
	s24 =	sld [smem:$0x3FFE];
	[sflag:s23] =	ssyncadd.s32 $0xFFFFFFFF  }
0xa6: {  	s26 =	simm.s32 $execute0_lowered;
	[smem:$0x3FD2] =	sst s25  }
0xa7: {  	s6 =	sshll.u32 s26, $0x1;
	_ =	strace $0x80000046;
	[dreg:$0x1] =	wrdreg $0xFFFFFFFF  }
0xa8: {  	s28 =	simm.s32 $_size_execute0_lowered;
	s4 =	sadd.s32 s4, s6;
	[dreg:$0x0] =	wrdreg $0x0  }
0xa9: {  	s6 =	sshll.u32 s28, $0x1;
	[dreg:$0x2] =	wrdreg s4  }
0xaa: {  	[dreg:$0x3] =	wrdreg s6  }
0xab: {  	[dreg:$0x4] =	wrdreg $0xC0  }
0xac: {  	_ =	task [dreg:s8], $0x5FFFF  }
0xad: {  	[dreg:$0x1] =	wrdreg $0xFFFFFFFF  }
0xae: {  	[dreg:$0x0] =	wrdreg $0x60  }
0xaf: {  	[dreg:$0x2] =	wrdreg s2  }
0xb0: {  	[dreg:$0x3] =	wrdreg s24  }
0xb1: {  	[dreg:$0x4] =	wrdreg s18  }
0xb2: {  	[dreg:$0x5] =	wrdreg $0x9  }
0xb3: {  	_ =	task.clear_ibuf [dreg:s8], $0x6FFFF;
	_ =	strace $0x90000046  }
0xb4: {  	s29 =	simm.s32 $0x9;
	_ =	strace $0x80000048  }
0xb5: {  	_ =	swait.ge [sflag:s29], $0x1  }
0xb6: {  	[sflag:s29] =	ssyncadd.s32 $0xFFFFFFFF  }
0xb7: {  	_ =	strace $0x90000048  }
0xb8: {  	_ =	sfence  }
0xb9: {  	s30 =	sld [smem:$0x0];
	_ =	sdelay $0x2  }
0xba: {  	s31 =	sshll.u32 s1, $0xD;
	s1 =	sshrl.u32 s1, $0x2  }
0xbb: {  	s3 =	sand.u32 $0x4000, s31;
	s1 =	sadd.s32 s1, s30  }
0xbc: {  	s0 =	sor.u32 s3, s0;
	s1 =	sshll.u32 s1, $0x11  }
0xbd: {  	s0 =	sor.u32 s1, s0  }
0xbe: {  	s0 =	sadd.s32 $0x8F2B, s0  }
0xbf: {  	[sflag:s0] =	ssyncadd.remote.s32 $0x1  }
0xc0: {  	_ =	sfence.sel $0xFFFF  }
0xc1: {  	[dreg:$0x0] =	wrdreg $0xFFFFFFFF;
	(pc) =	sbr.abs _section_cstart, $3  }
0xc2: {  	[dreg:$0x1] =	wrdreg $0xFFFFFFFF  }
0xc3: {  	_ =	task.clear_ibuf [dreg:s8], $0x2FFFF;
	_ =	strace $0x9FFFFFFF  }
0xc4: {  	(tm) =	ssettm $0x7FFFFFFF  }
0xc5: {  	_ =	shalt  }
tec
execute0_lowered:
.L_overlay_start_1:
0x0: {  	(tag) =	ssettag $0x1  }
0x1: {  	s0 =	rddreg [dreg:$0x0]  }
0x2: {  	s1 =	rddreg [dreg:$0x1]  }
0x3: {  	s2 =	rddreg [dreg:$0x2]  }
0x4: {  	s4 =	srdreg.scid;
	s8 =	stileid.u32;
	s3 =	simm.s32 $0x0  }
0x5: {  	s14 =	simm.s32 $0x4000;
	s15 =	simm.s32 $0x1;
	s12 =	simm.s32 $0x3  }
0x6: {  	s10 =	simm.s32 $0xA000;
	s13 =	simm.s32 $0xA800;
	s16 =	simm.s32 $0xB000  }
0x7: {  	s17 =	simm.s32 $0xB800;
	s18 =	simm.s32 $0x5;
	s19 =	simm.s32 $0x4  }
0x8: {  	s20 =	simm.s32 $0xC800;
	s21 =	simm.s32 $0xD000;
	s22 =	simm.s32 $0xD800  }
0x9: {  	s28 =	simm.s32 $0xF000;
	s29 =	simm.s32 $0xF800;
	s30 =	simm.s32 $0x6  }
0xa: {  	s4 =	sand.u32 $0x1, s4;
	s5 =	sshll.u32 s8, $0x1;
	[smem:$0x7FF] =	sst s3  }
0xb: {  	s25 =	sshll.u32 s8, $0x12;
	s8 =	sadd.s32 $0x200, s2;
	s9 =	sadd.s32 $0x300, s2  }
0xc: {  	s5 =	sor.u32 s4, s5;
	_ =	strace $0x80000047;
	s7 =	ssub.s32 $0x2, s4  }
0xd: {  	s26 =	sshll.u32 s4, $0x11;
	s6 =	sshll.u32 s5, $0xA;
	s23 =	sshrl.u32 s7, $0x1  }
0xe: {  	s5 =	sshll.u32 s5, $0x11;
	s1 =	sadd.s32 s6, s1;
	s6 =	ssub.s32 s7, s23  }
0xf: {  	s24 =	sadd.s32 s0, s5;
	s7 =	sadd.s32 $0x100, s2;
	s0 =	sadd.s32 s25, s0  }
.Ltmp0:
0x10: {  	s23 =	simm.s32 $0x8000;
	s25 =	simm.s32 $0xE000;
	(pc) =	sbr.rel .LBB2_1-.Ltmp0, $4  }
0x11: {  	s5 =	simm.s32 $0x0;
	s1 =	sadd.s32 $0x400, s1;
	[dreg:$0x5] =	wrdreg s24  }
0x12: {  	v2 =	vlaneseq.u32;
	s31 =	smax.u32 s6, $0x1;
	s11 =	sadd.s32 s26, s0;
	[dreg:$0x4] =	wrdreg s1  }
0x13: {  	vm0 =	vmmov $0xffff;
	v1 =	vshrl.u32 v2, $0x3;
	s26 =	simm.s32 $0xE800;
	s1 =	sadd.s32 $0x800, s24;
	[dreg:$0x7] =	wrdreg s31  }
0x14: {  	v0 =	vand.u32 $0x7, v2;
	v2 =	vor.u32 $0x8, v2;
	v1 =	vmul.u32 $0x8, v1;
	s24 =	simm.s32 $0x2;
	[dreg:$0x6] =	wrdreg s1;
	s1 =	simm.s32 $0xC000  }
.LBB2_4:
0x15: {  	s0 =	simm.s32 $0x7  }
0x16: {  	_ =	swait.ge [sflag:s0], $0x4000  }
0x17: {  	[sflag:s0] =	ssyncset.done $0x0  }
0x18: {  	s4 =	simm.s32 $0x8;
	[sflag:s0] =	ssyncadd.s32 $0xFFFFC000  }
0x19: {  	_ =	swait.ge [sflag:s4], $0x4000  }
0x1a: {  	s5 =	rddreg [dreg:$0x8]  }
0x1b: {  	s31 =	rddreg [dreg:$0x7];
	s5 =	sadd.s32 $0x1, s5  }
0x1c: {  	p0 =	sne.s32 s5, s31  }
.Ltmp1:
0x1d: {  	_ = 	snop;
	(pc) =	sbr.rel @!p0 .LBB2_5-.Ltmp1, $3  }
0x1e: {  	_ =	sdelay $0x1  }
0x1f: {  	[sflag:s4] =	ssyncset.done $0x0  }
0x20: {  	[sflag:s4] =	ssyncadd.s32 $0xFFFFC000  }
.LBB2_1:
0x21: {  	s0 =	rddreg [dreg:$0x4];
	s4 =	simm.s32 $0x10000  }
0x22: {  	[tilespmem:s4], [sflag:$0x9] =	stream.linear.gather [hbm4b:s0+s3], $0x2000, $0x38;
	[tilespmem:$0x12000] =	vst v63  }
0x23: {  	[dreg:$0x8] =	wrdreg s5;
	s4 =	simm.s32 $0x9  }
0x24: {  	_ =	swait.ge [sflag:s4], $0x2000  }
0x25: {  	[sflag:s4] =	ssyncset.done $0x0  }
0x26: {  	s5 =	rddreg [dreg:$0x5];
	[sflag:s4] =	ssyncadd.s32 $0xFFFFE000  }
0x27: {  	[tilespmem:s3], [sflag:$0x1] =	stream.linear.gather [hbm4b:s5+s3], $0x4000, $0x38;
	[tilespmem:$0x12000] =	vst v63  }
0x28: {  	s31 =	simm.s32 $0x10100;
	s0 =	simm.s32 $0x0;
	s6 =	rddreg [dreg:$0x6]  }
0x29: {  	[tilespmem:s14], [sflag:$0x2] =	stream.linear.gather [hbm4b:s6+s3], $0x4000, $0x38;
	[tilespmem:$0x12000] =	vst v63  }
.LBB2_2:
0x2a: {  	_ =	swait.ge [sflag:s15], $0x4000  }
0x2b: {  	[sflag:s15] =	ssyncset.done $0x0  }
0x2c: {  	[sflag:s15] =	ssyncadd.s32 $0xFFFFC000  }
0x2d: {  	v3 =	vld [tilespmem:s31+$0xFFFFFF00];
	_ =	sdelay $0x4  }
0x2e: {  	v4 =	vshll.u32 v3, $0x3  }
0x2f: {  	v3 =	vand.u32 $0x7, v3;
	v4 =	vand.u32 $0xFFFFFFC0, v4  }
0x30: {  	v3 =	vor.u32 v3, v4  }
0x31: {  	v4 =	vperm.xlane v3, v0;
	_ =	sdelay $0x1  }
0x32: {  	v4 =	vadd.s32 v1, v4;
	_ =	sdelay $0x4  }
0x33: {  	[hbm4b:s2+s3] =	stream.indirect_vreg.scatter [tilespmem:s3], [sflag:$0x5], $0x80, v4, vm0, $0xb8;
	[tilespmem:$0x12000] =	vst v63  }
0x34: {  	s4 =	simm.s32 $0x800;
	v3 =	vperm.xlane v3, v2  }
0x35: {  	[hbm4b:s7+s3] =	stream.indirect_vreg.scatter [tilespmem:s4], [sflag:$0x5], $0x80, v4, vm0, $0xb8;
	[tilespmem:$0x12000] =	vst v63  }
0x36: {  	s5 =	simm.s32 $0x1000;
	v3 =	vadd.s32 v1, v3  }
0x37: {  	[hbm4b:s8+s3] =	stream.indirect_vreg.scatter [tilespmem:s5], [sflag:$0x5], $0x80, v4, vm0, $0xb8;
	[tilespmem:$0x12000] =	vst v63  }
0x38: {  	s6 =	simm.s32 $0x1800  }
0x39: {  	[hbm4b:s9+s3] =	stream.indirect_vreg.scatter [tilespmem:s6], [sflag:$0x5], $0x80, v4, vm0, $0xb8;
	[tilespmem:$0x12000] =	vst v63  }
0x3a: {  	s5 =	simm.s32 $0x2000  }
0x3b: {  	[hbm4b:s2+s3] =	stream.indirect_vreg.scatter [tilespmem:s5], [sflag:$0x5], $0x80, v3, vm0, $0xb8;
	[tilespmem:$0x12000] =	vst v63  }
0x3c: {  	s6 =	simm.s32 $0x2800  }
0x3d: {  	[hbm4b:s7+s3] =	stream.indirect_vreg.scatter [tilespmem:s6], [sflag:$0x5], $0x80, v3, vm0, $0xb8;
	[tilespmem:$0x12000] =	vst v63  }
0x3e: {  	s5 =	simm.s32 $0x3000  }
0x3f: {  	[hbm4b:s8+s3] =	stream.indirect_vreg.scatter [tilespmem:s5], [sflag:$0x5], $0x80, v3, vm0, $0xb8;
	[tilespmem:$0x12000] =	vst v63  }
0x40: {  	p0 =	seq.s32 s0, $0x0;
	s6 =	simm.s32 $0x3800  }
0x41: {  	[hbm4b:s9+s3] =	stream.indirect_vreg.scatter [tilespmem:s6], [sflag:$0x5], $0x80, v3, vm0, $0xb8;
	[tilespmem:$0x12000] =	vst v63  }
0x42: {  	s6 =	simm.s32 @!p0 $0x7  }
0x43: {  	_ =	swait.ge @!p0 [sflag:s6], $0x4000  }
0x44: {  	s4 =	sadd.s32 s0, s11;
	[sflag:s6] =	ssyncset.done @!p0 $0x0  }
0x45: {  	s5 =	sadd.s32 $0x1000, s4;
	[sflag:s6] =	ssyncadd.s32 @!p0 $0xFFFFC000  }
0x46: {  	[tilespmem:s23], [sflag:$0x3] =	stream.linear.gather [hbm4b:s5+s3], $0x4000, $0x38;
	[tilespmem:$0x12000] =	vst v63  }
0x47: {  	_ =	swait.ge [sflag:s24], $0x4000  }
0x48: {  	[sflag:s24] =	ssyncset.done $0x0  }
0x49: {  	[sflag:s24] =	ssyncadd.s32 $0xFFFFC000  }
0x4a: {  	v3 =	vld [tilespmem:s31+$0xFFFFFF80];
	_ =	sdelay $0x4  }
0x4b: {  	v61 =	vshll.u32 v3, $0x3  }
0x4c: {  	v3 =	vand.u32 $0x7, v3;
	v4 =	vand.u32 $0xFFFFFFC0, v61  }
0x4d: {  	v3 =	vor.u32 v3, v4  }
0x4e: {  	v4 =	vperm.xlane v3, v0;
	_ =	sdelay $0x1  }
0x4f: {  	v4 =	vadd.s32 v1, v4;
	_ =	sdelay $0x4  }
0x50: {  	[hbm4b:s2+s3] =	stream.indirect_vreg.scatter [tilespmem:s14], [sflag:$0x6], $0x80, v4, vm0, $0xb8;
	[tilespmem:$0x12000] =	vst v63  }
0x51: {  	s5 =	simm.s32 $0x4800;
	v3 =	vperm.xlane v3, v2  }
0x52: {  	[hbm4b:s7+s3] =	stream.indirect_vreg.scatter [tilespmem:s5], [sflag:$0x6], $0x80, v4, vm0, $0xb8;
	[tilespmem:$0x12000] =	vst v63  }
0x53: {  	s6 =	simm.s32 $0x5000;
	v3 =	vadd.s32 v1, v3  }
0x54: {  	[hbm4b:s8+s3] =	stream.indirect_vreg.scatter [tilespmem:s6], [sflag:$0x6], $0x80, v4, vm0, $0xb8;
	[tilespmem:$0x12000] =	vst v63  }
0x55: {  	s6 =	simm.s32 $0x5800  }
0x56: {  	[hbm4b:s9+s3] =	stream.indirect_vreg.scatter [tilespmem:s6], [sflag:$0x6], $0x80, v4, vm0, $0xb8;
	[tilespmem:$0x12000] =	vst v63  }
0x57: {  	s6 =	simm.s32 $0x6000  }
0x58: {  	[hbm4b:s2+s3] =	stream.indirect_vreg.scatter [tilespmem:s6], [sflag:$0x6], $0x80, v3, vm0, $0xb8;
	[tilespmem:$0x12000] =	vst v63  }
0x59: {  	s6 =	simm.s32 $0x6800  }
0x5a: {  	[hbm4b:s7+s3] =	stream.indirect_vreg.scatter [tilespmem:s6], [sflag:$0x6], $0x80, v3, vm0, $0xb8;
	[tilespmem:$0x12000] =	vst v63  }
0x5b: {  	s6 =	simm.s32 $0x7000  }
0x5c: {  	[hbm4b:s8+s3] =	stream.indirect_vreg.scatter [tilespmem:s6], [sflag:$0x6], $0x80, v3, vm0, $0xb8;
	[tilespmem:$0x12000] =	vst v63  }
0x5d: {  	s6 =	simm.s32 $0x7800  }
0x5e: {  	[hbm4b:s9+s3] =	stream.indirect_vreg.scatter [tilespmem:s6], [sflag:$0x6], $0x80, v3, vm0, $0xb8;
	[tilespmem:$0x12000] =	vst v63  }
0x5f: {  	s6 =	simm.s32 @!p0 $0x8  }
0x60: {  	_ =	swait.ge @!p0 [sflag:s6], $0x4000  }
0x61: {  	[sflag:s6] =	ssyncset.done @!p0 $0x0  }
0x62: {  	s5 =	sadd.s32 $0x1800, s4;
	[sflag:s6] =	ssyncadd.s32 @!p0 $0xFFFFC000  }
0x63: {  	[tilespmem:s1], [sflag:$0x4] =	stream.linear.gather [hbm4b:s5+s3], $0x4000, $0x38;
	[tilespmem:$0x12000] =	vst v63  }
0x64: {  	_ =	swait.ge [sflag:s12], $0x4000  }
0x65: {  	[sflag:s12] =	ssyncset.done $0x0  }
0x66: {  	[sflag:s12] =	ssyncadd.s32 $0xFFFFC000  }
0x67: {  	v3 =	vld [tilespmem:s31+$0x0];
	_ =	sdelay $0x4  }
0x68: {  	v62 =	vshll.u32 v3, $0x3  }
0x69: {  	v3 =	vand.u32 $0x7, v3;
	v4 =	vand.u32 $0xFFFFFFC0, v62  }
0x6a: {  	v3 =	vor.u32 v3, v4  }
0x6b: {  	v4 =	vperm.xlane v3, v0;
	_ =	sdelay $0x1  }
0x6c: {  	v4 =	vadd.s32 v1, v4;
	_ =	sdelay $0x4  }
0x6d: {  	[hbm4b:s2+s3] =	stream.indirect_vreg.scatter [tilespmem:s23], [sflag:$0x7], $0x80, v4, vm0, $0xb8;
	[tilespmem:$0x12000] =	vst v63  }
0x6e: {  	s6 =	simm.s32 $0x8800;
	v3 =	vperm.xlane v3, v2  }
0x6f: {  	[hbm4b:s7+s3] =	stream.indirect_vreg.scatter [tilespmem:s6], [sflag:$0x7], $0x80, v4, vm0, $0xb8;
	[tilespmem:$0x12000] =	vst v63  }
0x70: {  	v3 =	vadd.s32 v1, v3;
	s6 =	simm.s32 $0x9000  }
0x71: {  	[hbm4b:s8+s3] =	stream.indirect_vreg.scatter [tilespmem:s6], [sflag:$0x7], $0x80, v4, vm0, $0xb8;
	[tilespmem:$0x12000] =	vst v63  }
0x72: {  	s6 =	simm.s32 $0x9800  }
0x73: {  	[hbm4b:s9+s3] =	stream.indirect_vreg.scatter [tilespmem:s6], [sflag:$0x7], $0x80, v4, vm0, $0xb8;
	[tilespmem:$0x12000] =	vst v63  }
0x74: {  	_ = 	snop  }
0x75: {  	[hbm4b:s2+s3] =	stream.indirect_vreg.scatter [tilespmem:s10], [sflag:$0x7], $0x80, v3, vm0, $0xb8;
	[tilespmem:$0x12000] =	vst v63  }
0x76: {  	_ = 	snop  }
0x77: {  	[hbm4b:s7+s3] =	stream.indirect_vreg.scatter [tilespmem:s13], [sflag:$0x7], $0x80, v3, vm0, $0xb8;
	[tilespmem:$0x12000] =	vst v63  }
0x78: {  	_ = 	snop  }
0x79: {  	[hbm4b:s8+s3] =	stream.indirect_vreg.scatter [tilespmem:s16], [sflag:$0x7], $0x80, v3, vm0, $0xb8;
	[tilespmem:$0x12000] =	vst v63  }
0x7a: {  	_ = 	snop  }
0x7b: {  	[hbm4b:s9+s3] =	stream.indirect_vreg.scatter [tilespmem:s17], [sflag:$0x7], $0x80, v3, vm0, $0xb8;
	[tilespmem:$0x12000] =	vst v63  }
0x7c: {  	p0 =	seq.s32 s0, $0x1E000;
	_ =	swait.ge [sflag:s18], $0x4000  }
0x7d: {  	s6 =	sadd.s32 @!p0 s0, s11;
	[sflag:s18] =	ssyncset.done $0x0  }
0x7e: {  	s5 =	simm.s32 @!p0 $0x0;
	s6 =	sadd.s32 @!p0 $0x2000, s6;
	[sflag:s18] =	ssyncadd.s32 $0xFFFFC000  }
0x7f: {  	[tilespmem:s5], [sflag:$0x1] =	stream.linear.gather @!p0 [hbm4b:s6+s5], $0x4000, $0x38;
	[tilespmem:$0x12000] =	vst v63  }
0x80: {  	_ =	swait.ge [sflag:s19], $0x4000  }
0x81: {  	[sflag:s19] =	ssyncset.done $0x0  }
0x82: {  	[sflag:s19] =	ssyncadd.s32 $0xFFFFC000  }
0x83: {  	v3 =	vld [tilespmem:s31+$0x80];
	_ =	sdelay $0x4  }
0x84: {  	v63 =	vshll.u32 v3, $0x3  }
0x85: {  	v3 =	vand.u32 $0x7, v3;
	v4 =	vand.u32 $0xFFFFFFC0, v63  }
0x86: {  	v3 =	vor.u32 v3, v4  }
0x87: {  	v4 =	vperm.xlane v3, v0;
	_ =	sdelay $0x1  }
0x88: {  	v4 =	vadd.s32 v1, v4;
	_ =	sdelay $0x4  }
0x89: {  	[hbm4b:s2+s3] =	stream.indirect_vreg.scatter [tilespmem:s1], [sflag:$0x8], $0x80, v4, vm0, $0xb8;
	[tilespmem:$0x12000] =	vst v63  }
0x8a: {  	v3 =	vperm.xlane v3, v2  }
0x8b: {  	[hbm4b:s7+s3] =	stream.indirect_vreg.scatter [tilespmem:s20], [sflag:$0x8], $0x80, v4, vm0, $0xb8;
	[tilespmem:$0x12000] =	vst v63  }
0x8c: {  	v3 =	vadd.s32 v1, v3  }
0x8d: {  	[hbm4b:s8+s3] =	stream.indirect_vreg.scatter [tilespmem:s21], [sflag:$0x8], $0x80, v4, vm0, $0xb8;
	[tilespmem:$0x12000] =	vst v63  }
0x8e: {  	_ = 	snop  }
0x8f: {  	[hbm4b:s9+s3] =	stream.indirect_vreg.scatter [tilespmem:s22], [sflag:$0x8], $0x80, v4, vm0, $0xb8;
	[tilespmem:$0x12000] =	vst v63  }
0x90: {  	_ = 	snop  }
0x91: {  	[hbm4b:s2+s3] =	stream.indirect_vreg.scatter [tilespmem:s25], [sflag:$0x8], $0x80, v3, vm0, $0xb8;
	[tilespmem:$0x12000] =	vst v63  }
0x92: {  	_ = 	snop  }
0x93: {  	[hbm4b:s7+s3] =	stream.indirect_vreg.scatter [tilespmem:s26], [sflag:$0x8], $0x80, v3, vm0, $0xb8;
	[tilespmem:$0x12000] =	vst v63  }
0x94: {  	_ = 	snop  }
0x95: {  	[hbm4b:s8+s3] =	stream.indirect_vreg.scatter [tilespmem:s28], [sflag:$0x8], $0x80, v3, vm0, $0xb8;
	[tilespmem:$0x12000] =	vst v63  }
.Ltmp2:
0x96: {  	_ = 	snop;
	(pc) =	sbr.rel @p0 .LBB2_4-.Ltmp2, $4  }
0x97: {  	[hbm4b:s9+s3] =	stream.indirect_vreg.scatter [tilespmem:s29], [sflag:$0x8], $0x80, v3, vm0, $0xb8;
	[tilespmem:$0x12000] =	vst v63  }
0x98: {  	_ =	swait.ge [sflag:s30], $0x4000  }
0x99: {  	[sflag:s30] =	ssyncset.done $0x0  }
0x9a: {  	[sflag:s30] =	ssyncadd.s32 $0xFFFFC000  }
.Ltmp3:
0x9b: {  	(pc) =	sbr.rel .LBB2_2-.Ltmp3, $3  }
0x9c: {  	_ =	sdelay $0x1  }
0x9d: {  	s4 =	sadd.s32 $0x2800, s4;
	s0 =	sadd.s32 $0x2000, s0;
	s31 =	sadd.s32 $0x200, s31  }
0x9e: {  	[tilespmem:s14], [sflag:$0x2] =	stream.linear.gather [hbm4b:s4+s3], $0x4000, $0x38;
	[tilespmem:$0x12000] =	vst v63  }
.LBB2_5:
0x9f: {  	_ =	sfence.sel $0x180000  }
0xa0: {  	[bflag:$0x0] =	sbarrier.arrive $0xFFFF  }
0xa1: {  	_ =	strace $0x90000047  }
0xa2: {  	s0 =	stileid.u32;
	[bflag:$0x2] =	sbarrier.arrive $0xFFFF  }
0xa3: {  	p0 =	sne.s32 s0, $0x0;
	s0 =	rddreg [dreg:$0x3]  }
0xa4: {  	s0 =	sadd.s32 @!p0 $0x100000, s0  }
0xa5: {  	[sflag:s0] =	ssyncadd.tile.s32 @!p0 $0x1;
	_ =	shalt  }
.Lfunc_end2:
_tile_overlayer_lowered:
.L_overlay_start_2:
0xa6: {  	(tag) =	ssettag $0x2  }
0xa7: {  	s0 =	rddreg [dreg:$0x0];
	s2 =	stileid.u32  }
0xa8: {  	s1 =	rddreg [dreg:$0x1];
	p0 =	sne.s32 s2, $0x0  }
0xa9: {  	s3 =	rddreg [dreg:$0x2];
	[bflag:$0x3] =	sbarrier.arrive $0xFFFF;
	s2 =	simm.s32 @!p0 $0x1C09  }
0xaa: {  	[timem:s3], [sflag:s2] =	dma.local @!p0 [hbm:s0], s1  }
0xab: {  	s0 =	simm.s32 @!p0 $0x9  }
0xac: {  	_ =	swait.ge @!p0 [sflag:s0], s1  }
0xad: {  	s1 =	ssub.s32 @!p0 $0x0, s1;
	[sflag:s0] =	ssyncset.done @!p0 $0x0  }
0xae: {  	[sflag:s0] =	ssyncadd.s32 @!p0 s1  }
0xaf: {  	[bflag:$0x3] =	sbarrier.arrive $0xFFFF  }
0xb0: {  	_ =	shalt  }

</sc_bundles>
